<compile_context>
chip_gen: v7x
topology: tpu7x:2x2x1
jax: 0.10.2.dev20260603
libtpu: 0.0.44.dev20260713+nightly
codegen_flags: <defaults>
</compile_context>

<pallas_src>
import functools

import jax
import jax.numpy as jnp
from jax import lax
from jax.experimental import pallas as pl
from jax.experimental.pallas import tpu as pltpu
from jax.experimental.pallas import tpu_sc as plsc

B = 4
N = 8192
K_KEY = 64
NS_SRC = 32
NS_TGT = 16
C_VOX = 27
D_FEAT = 32
D_DFE = 64



def _k1_body(x_ref, w1_ref, b1_ref, w2_ref, b2_ref, wl_ref, a_ref, f_ref,
             table_ref, score_ref):
    x = x_ref[0]
    h = jnp.maximum(jnp.dot(x, w1_ref[...], preferred_element_type=jnp.float32)
                    + b1_ref[...], 0.0)
    feat = jnp.maximum(jnp.dot(h, w2_ref[...], preferred_element_type=jnp.float32)
                       + b2_ref[...], 0.0)
    score_ref[0] = jnp.dot(feat, wl_ref[...], preferred_element_type=jnp.float32)
    table_ref[0] = (jnp.dot(x, a_ref[...], preferred_element_type=jnp.float32)
                    + jnp.dot(feat, f_ref[...], preferred_element_type=jnp.float32))


def _run_k1(x_all, W1, b1, W2, b2, W_wl, A, Ff):
    nb = x_all.shape[0]
    return pl.pallas_call(
        _k1_body,
        grid=(nb,),
        in_specs=[
            pl.BlockSpec((1, N, 8), lambda i: (i, 0, 0)),
            pl.BlockSpec((8, D_FEAT), lambda i: (0, 0)),
            pl.BlockSpec((1, D_FEAT), lambda i: (0, 0)),
            pl.BlockSpec((D_FEAT, D_FEAT), lambda i: (0, 0)),
            pl.BlockSpec((1, D_FEAT), lambda i: (0, 0)),
            pl.BlockSpec((D_FEAT, 1), lambda i: (0, 0)),
            pl.BlockSpec((8, D_DFE), lambda i: (0, 0)),
            pl.BlockSpec((D_FEAT, D_DFE), lambda i: (0, 0)),
        ],
        out_specs=[
            pl.BlockSpec((1, N, D_DFE), lambda i: (i, 0, 0)),
            pl.BlockSpec((1, N, 1), lambda i: (i, 0, 0)),
        ],
        out_shape=[
            jax.ShapeDtypeStruct((nb, N, D_DFE), jnp.float32),
            jax.ShapeDtypeStruct((nb, N, 1), jnp.float32),
        ],
    )(x_all, W1, b1, W2, b2, W_wl, A, Ff)




def _k2_body(score_ref, xyz_ref, rt_ref, t_ref, offs_ref, a_ref, bd1_ref,
             key_ref, cand_ref, subs_ref, subt_ref):
    s = score_ref[0]
    iota = (lax.broadcasted_iota(jnp.int32, (64, 128), 0) * 128
            + lax.broadcasted_iota(jnp.int32, (64, 128), 1))

    def body(t, s):
        m = jnp.max(s)
        j = jnp.min(jnp.where(s == m, iota, jnp.int32(2**30)))
        key_ref[0, pl.ds(t, 1), :] = xyz_ref[0, pl.ds(j, 1), :]
        return jnp.where(iota == j, -jnp.inf, s)

    lax.fori_loop(0, K_KEY, body, s)

    key = key_ref[0]
    trans = (jnp.dot(key, rt_ref[...], preferred_element_type=jnp.float32)
             + t_ref[...])
    cand = (trans[:, None, :] + offs_ref[...][None, :, :]).reshape(
        K_KEY * C_VOX, 8)
    cand_ref[0] = cand
    subs_ref[0] = (jnp.dot(key, a_ref[...], preferred_element_type=jnp.float32)
                   - bd1_ref[...])
    subt_ref[0] = (jnp.dot(cand, a_ref[...], preferred_element_type=jnp.float32)
                   - bd1_ref[...])


def _run_k2(scores2, xyz_src, Rt, tT, offs, A, bd1):
    return pl.pallas_call(
        _k2_body,
        grid=(B,),
        in_specs=[
            pl.BlockSpec((1, 64, 128), lambda i: (i, 0, 0)),
            pl.BlockSpec((1, N, 8), lambda i: (i, 0, 0)),
            pl.BlockSpec((8, 8), lambda i: (0, 0)),
            pl.BlockSpec((1, 8), lambda i: (0, 0)),
            pl.BlockSpec((C_VOX, 8), lambda i: (0, 0)),
            pl.BlockSpec((8, D_DFE), lambda i: (0, 0)),
            pl.BlockSpec((1, D_DFE), lambda i: (0, 0)),
        ],
        out_specs=[
            pl.BlockSpec((1, K_KEY, 8), lambda i: (i, 0, 0)),
            pl.BlockSpec((1, K_KEY * C_VOX, 8), lambda i: (i, 0, 0)),
            pl.BlockSpec((1, K_KEY, D_DFE), lambda i: (i, 0, 0)),
            pl.BlockSpec((1, K_KEY * C_VOX, D_DFE), lambda i: (i, 0, 0)),
        ],
        out_shape=[
            jax.ShapeDtypeStruct((B, K_KEY, 8), jnp.float32),
            jax.ShapeDtypeStruct((B, K_KEY * C_VOX, 8), jnp.float32),
            jax.ShapeDtypeStruct((B, K_KEY, D_DFE), jnp.float32),
            jax.ShapeDtypeStruct((B, K_KEY * C_VOX, D_DFE), jnp.float32),
        ],
    )(scores2, xyz_src, Rt, tT, offs, A, bd1)




def _knn_body(q_ref, pt_ref, out_ref, *, k, rows):
    b = pl.program_id(0)
    q = q_ref[0]
    px = pt_ref[0]
    qx = q[:, 0:1]
    qy = q[:, 1:2]
    qz = q[:, 2:3]
    aa = qx * qx + qy * qy + qz * qz
    bb = jnp.sum(px * px, axis=0, keepdims=True)
    ab = (qx * px[0:1, :] + qy * px[1:2, :] + qz * px[2:3, :])
    dist = aa + bb - 2.0 * ab

    col = lax.broadcasted_iota(jnp.int32, (rows, N), 1)
    ocol = lax.broadcasted_iota(jnp.int32, (rows, k), 1)
    big = jnp.int32(2**30)

    def body(t, carry):
        d, out = carry
        m = jnp.min(d, axis=1, keepdims=True)
        cidx = jnp.where(d == m, col, big)
        j = jnp.min(cidx, axis=1, keepdims=True)
        d = jnp.where(cidx == j, jnp.inf, d)
        out = jnp.where(ocol == t, j + b * N, out)
        return d, out

    out0 = jnp.zeros((rows, k), jnp.int32)
    _, out = lax.fori_loop(0, k, body, (dist, out0))
    out_ref[0] = out


def _run_knn(q, ptsT, k, rows, nblk):
    nq = q.shape[1]
    body = functools.partial(_knn_body, k=k, rows=rows)
    return pl.pallas_call(
        body,
        grid=(B, nblk),
        in_specs=[
            pl.BlockSpec((1, rows, 8), lambda i, r: (i, r, 0)),
            pl.BlockSpec((1, 3, N), lambda i, r: (i, 0, 0)),
        ],
        out_specs=pl.BlockSpec((1, rows, k), lambda i, r: (i, r, 0)),
        out_shape=jax.ShapeDtypeStruct((B, nq, k), jnp.int32),
    )(q, ptsT)



_SC_CHUNK = 128


def _sc_gather_body(tsrc_ref, ttgt_ref, sidx_ref, tidx_ref, gsrc_ref,
                    gtgt_ref, idx_v, rows_v, sem, *, src_chunks, tgt_chunks):
    nc = 2
    wid = lax.axis_index("s") * nc + lax.axis_index("c")

    def run(table_ref, iref, oref, nchunk, base):
        def body(i, _):
            off = base + i * _SC_CHUNK
            pltpu.sync_copy(iref.at[pl.ds(off, _SC_CHUNK)], idx_v)
            pltpu.async_copy(table_ref.at[idx_v], rows_v, sem).wait()
            pltpu.sync_copy(rows_v, oref.at[pl.ds(off, _SC_CHUNK)])
            return 0

        lax.fori_loop(0, nchunk, body, 0)

    run(tsrc_ref, sidx_ref, gsrc_ref, src_chunks, wid * (src_chunks * _SC_CHUNK))
    run(ttgt_ref, tidx_ref, gtgt_ref, tgt_chunks, wid * (tgt_chunks * _SC_CHUNK))


def _run_sc_gather(table_src, table_tgt, sidx, tidx):
    ns_rows = sidx.shape[0]
    nt_rows = tidx.shape[0]
    nw = 32
    src_chunks = ns_rows // (nw * _SC_CHUNK)
    tgt_chunks = nt_rows // (nw * _SC_CHUNK)
    mesh = plsc.VectorSubcoreMesh(core_axis_name="c", subcore_axis_name="s")
    body = functools.partial(_sc_gather_body, src_chunks=src_chunks,
                             tgt_chunks=tgt_chunks)
    return pl.kernel(
        body,
        out_type=[
            jax.ShapeDtypeStruct((ns_rows, D_DFE), jnp.float32),
            jax.ShapeDtypeStruct((nt_rows, D_DFE), jnp.float32),
        ],
        mesh=mesh,
        scratch_types=[
            pltpu.VMEM((_SC_CHUNK,), jnp.int32),
            pltpu.VMEM((_SC_CHUNK, D_DFE), jnp.float32),
            pltpu.SemaphoreType.DMA,
        ],
        compiler_params=pltpu.CompilerParams(use_tc_tiling_on_sc=False),
    )(table_src, table_tgt, sidx, tidx)




def _dfe_tgt_body(g_ref, sub_ref, w2_ref, b2_ref, out_ref, *, rows):
    g = g_ref[0]
    sub = sub_ref[0]
    h1 = jnp.maximum(g.reshape(rows, NS_TGT, D_DFE) - sub[:, None, :], 0.0)
    h1 = h1.reshape(rows * NS_TGT, D_DFE)
    h2 = jnp.maximum(jnp.dot(h1, w2_ref[...], preferred_element_type=jnp.float32)
                     + b2_ref[...], 0.0)
    out_ref[0] = jnp.max(h2.reshape(rows, NS_TGT, D_DFE), axis=1)


def _run_dfe_tgt(g_tgt, sub_tgt, Wd2, bd2, rows, nblk):
    nq = K_KEY * C_VOX
    body = functools.partial(_dfe_tgt_body, rows=rows)
    return pl.pallas_call(
        body,
        grid=(B, nblk),
        in_specs=[
            pl.BlockSpec((1, rows * NS_TGT, D_DFE), lambda i, r: (i, r, 0)),
            pl.BlockSpec((1, rows, D_DFE), lambda i, r: (i, r, 0)),
            pl.BlockSpec((D_DFE, D_DFE), lambda i, r: (0, 0)),
            pl.BlockSpec((1, D_DFE), lambda i, r: (0, 0)),
        ],
        out_specs=pl.BlockSpec((1, rows, D_DFE), lambda i, r: (i, r, 0)),
        out_shape=jax.ShapeDtypeStruct((B, nq, D_DFE), jnp.float32),
    )(g_tgt, sub_tgt, Wd2, bd2)




def _cpg_body(gs_ref, subs_ref, tdfe_ref, cand_ref, w2_ref, b2_ref, out_ref):
    gs = gs_ref[0]
    subs = subs_ref[0]
    h1 = jnp.maximum(gs.reshape(K_KEY, NS_SRC, D_DFE) - subs[:, None, :], 0.0)
    h1 = h1.reshape(K_KEY * NS_SRC, D_DFE)
    h2 = jnp.maximum(jnp.dot(h1, w2_ref[...], preferred_element_type=jnp.float32)
                     + b2_ref[...], 0.0)
    sdfe = jnp.max(h2.reshape(K_KEY, NS_SRC, D_DFE), axis=1)

    tdfe = tdfe_ref[0].reshape(K_KEY, C_VOX, D_DFE)
    sim = jnp.sum(sdfe[:, None, :] * tdfe, axis=-1)
    w = jnp.exp(sim - jnp.max(sim, axis=-1, keepdims=True))
    w = w / jnp.sum(w, axis=-1, keepdims=True)
    cand = cand_ref[0].reshape(K_KEY, C_VOX, 8)
    out_ref[0] = jnp.sum(w[:, :, None] * cand, axis=1)


def _run_cpg(g_src, sub_src, tgt_dfe, cand, Wd2, bd2):
    return pl.pallas_call(
        _cpg_body,
        grid=(B,),
        in_specs=[
            pl.BlockSpec((1, K_KEY * NS_SRC, D_DFE), lambda i: (i, 0, 0)),
            pl.BlockSpec((1, K_KEY, D_DFE), lambda i: (i, 0, 0)),
            pl.BlockSpec((1, K_KEY * C_VOX, D_DFE), lambda i: (i, 0, 0)),
            pl.BlockSpec((1, K_KEY * C_VOX, 8), lambda i: (i, 0, 0)),
            pl.BlockSpec((D_DFE, D_DFE), lambda i: (0, 0)),
            pl.BlockSpec((1, D_DFE), lambda i: (0, 0)),
        ],
        out_specs=pl.BlockSpec((1, K_KEY, 8), lambda i: (i, 0, 0)),
        out_shape=jax.ShapeDtypeStruct((B, K_KEY, 8), jnp.float32),
    )(g_src, sub_src, tgt_dfe, cand, Wd2, bd2)




def _pad_minor(x, width):
    pad = width - x.shape[-1]
    if pad == 0:
        return x
    cfg = [(0, 0)] * (x.ndim - 1) + [(0, pad)]
    return jnp.pad(x, cfg)


def kernel(src_pts, tgt_pts, R_init, t_init, W1, b1, W2, b2, W_wl, Wd1, bd1,
           Wd2, bd2):
    A = Wd1[:3]
    Ff = Wd1[3:]

    pts_all = jnp.concatenate([src_pts, tgt_pts], axis=0)
    x_all = _pad_minor(jnp.transpose(pts_all, (0, 2, 1)), 8)
    W1p = jnp.pad(W1, ((0, 2), (0, 0)))

    tables, scores = _run_k1(x_all, W1p, b1[None, :], W2, b2[None, :],
                             W_wl[:, None], jnp.pad(A, ((0, 5), (0, 0))), Ff)
    table_src = tables[:B].reshape(B * N, D_DFE)
    table_tgt = tables[B:].reshape(B * N, D_DFE)

    scores2 = scores[:B].reshape(B, 64, 128)
    xyz_src = x_all[:B]

    grid1 = jnp.arange(-1.0, 1.5, 1.0)
    offs = jnp.stack(jnp.meshgrid(grid1, grid1, grid1, indexing='ij'),
                     axis=-1).reshape(-1, 3)

    key_p, cand_p, sub_src, sub_tgt = _run_k2(
        scores2, xyz_src, jnp.pad(jnp.transpose(R_init), ((0, 5), (0, 5))),
        _pad_minor(jnp.transpose(t_init), 8), _pad_minor(offs, 8),
        jnp.pad(A, ((0, 5), (0, 0))), bd1[None, :])

    src_xyzT = src_pts[:, :3, :]
    tgt_xyzT = tgt_pts[:, :3, :]

    pidx = _run_knn(key_p, src_xyzT, NS_SRC, K_KEY, 1)
    tidx = _run_knn(cand_p, tgt_xyzT, NS_TGT, 216, 8)

    g_src, g_tgt = _run_sc_gather(table_src, table_tgt,
                                  pidx.reshape(-1), tidx.reshape(-1))
    g_src = g_src.reshape(B, K_KEY * NS_SRC, D_DFE)
    g_tgt = g_tgt.reshape(B, K_KEY * C_VOX * NS_TGT, D_DFE)

    tgt_dfe = _run_dfe_tgt(g_tgt, sub_tgt, Wd2, bd2[None, :], 216, 8)
    tgt_vcp = _run_cpg(g_src, sub_src, tgt_dfe, cand_p, Wd2, bd2[None, :])

    return key_p[:, :, :3], tgt_vcp[:, :, :3]

# --- scband reference (transcript-rebuilt; emitter-appended) ---
"""Pipeline reference for scband-deep-vcp-45999099740711 (READ-ONLY COPY).

The authoritative reference and input builder live on the scoring server;
editing this copy changes nothing except your own understanding.
"""

import jax, jax.numpy as jnp
import numpy as np

B, N = 4, 8192
K_KEY, NS_SRC, NS_TGT = 64, 32, 16

def _mlp_feat(pts, W1, b1, W2, b2):
    x = jnp.transpose(pts, (0, 2, 1))
    h = jax.nn.relu(x @ W1 + b1)
    return jax.nn.relu(h @ W2 + b2)

def _sqdist(a, b):
    aa = jnp.sum(a * a, axis=-1)[:, :, None]
    bb = jnp.sum(b * b, axis=-1)[:, None, :]
    ab = jnp.einsum('bmd,bnd->bmn', a, b)
    return aa + bb - 2.0 * ab

def _bgather(x, idx):
    return jax.vmap(lambda xx, ii: xx[ii])(x, idx)

def _dfe(x, Wd1, bd1, Wd2, bd2):
    h = jax.nn.relu(x @ Wd1 + bd1)
    h = jax.nn.relu(h @ Wd2 + bd2)
    return jnp.max(h, axis=-2)

def setup_inputs(seed: int = 0) -> dict:
    key = jax.random.key(seed)
    ks = jax.random.split(key, 16)
    return {
        'src_pts': jax.random.normal(ks[0], (B, 6, N), dtype=jnp.float32),
        'tgt_pts': jax.random.normal(ks[1], (B, 6, N), dtype=jnp.float32),
        'R_init': jnp.eye(3, dtype=jnp.float32) + 0.01 * jax.random.normal(ks[2], (3, 3), dtype=jnp.float32),
        't_init': 0.1 * jax.random.normal(ks[3], (3, 1), dtype=jnp.float32),
        'W1': 0.1 * jax.random.normal(ks[4], (6, 32), dtype=jnp.float32),
        'b1': jnp.zeros((32,), dtype=jnp.float32),
        'W2': 0.1 * jax.random.normal(ks[5], (32, 32), dtype=jnp.float32),
        'b2': jnp.zeros((32,), dtype=jnp.float32),
        'W_wl': 0.1 * jax.random.normal(ks[6], (32,), dtype=jnp.float32),
        'Wd1': 0.1 * jax.random.normal(ks[7], (35, 64), dtype=jnp.float32),
        'bd1': jnp.zeros((64,), dtype=jnp.float32),
        'Wd2': 0.1 * jax.random.normal(ks[8], (64, 64), dtype=jnp.float32),
        'bd2': jnp.zeros((64,), dtype=jnp.float32),
    }

def reference(src_pts, tgt_pts, R_init, t_init, W1, b1, W2, b2, W_wl, Wd1, bd1, Wd2, bd2):
    Bb = src_pts.shape[0]
    # FE1: shared pointwise feature extraction on src and tgt
    src_feat = _mlp_feat(src_pts, W1, b1, W2, b2)
    tgt_feat = _mlp_feat(tgt_pts, W1, b1, W2, b2)
    # WL: weighting layer -> top-K keypoints
    scores = src_feat @ W_wl
    _, key_idx = jax.lax.top_k(scores, K_KEY)
    src_pts_t = jnp.transpose(src_pts, (0, 2, 1))
    src_keypts = _bgather(src_pts_t, key_idx)
    key_xyz = src_keypts[:, :, :3]
    src_xyz = src_pts_t[:, :, :3]
    # sample_and_group: kNN grouping of keypoints in src cloud
    _, picked_idx = jax.lax.top_k(-_sqdist(key_xyz, src_xyz), NS_SRC)
    grouped_xyz = _bgather(src_xyz, picked_idx)
    rel_xyz = grouped_xyz - key_xyz[:, :, None, :]
    grouped_feat = _bgather(src_feat, picked_idx)
    src_cat = jnp.concatenate([rel_xyz, grouped_feat], axis=-1)
    src_dfe = _dfe(src_cat, Wd1, bd1, Wd2, bd2)
    # transform keypoints by initial pose
    trans = jnp.einsum('ij,bkj->bki', R_init, key_xyz) + t_init[:, 0][None, None, :]
    # voxelize: candidate grid around transformed keypoints
    grid = jnp.arange(-1.0, 1.5, 1.0)
    offs = jnp.stack(jnp.meshgrid(grid, grid, grid, indexing='ij'), axis=-1).reshape(-1, 3)
    C = offs.shape[0]
    cand = trans[:, :, None, :] + offs[None, None, :, :]
    cand_flat = cand.reshape(Bb, K_KEY * C, 3)
    tgt_xyz = jnp.transpose(tgt_pts, (0, 2, 1))[:, :, :3]
    # kNN retrieval of candidates in tgt cloud (memory-bound distance + top-k)
    _, tidx = jax.lax.top_k(-_sqdist(cand_flat, tgt_xyz), NS_TGT)
    tgt_grouped_xyz = _bgather(tgt_xyz, tidx)
    tgt_rel = tgt_grouped_xyz - cand_flat[:, :, None, :]
    tgt_grouped_feat = _bgather(tgt_feat, tidx)
    tgt_cat = jnp.concatenate([tgt_rel, tgt_grouped_feat], axis=-1)
    tgt_dfe = _dfe(tgt_cat, Wd1, bd1, Wd2, bd2).reshape(Bb, K_KEY, C, -1)
    # CPG: softmax-weighted corresponding point generation
    sim = jnp.einsum('bkd,bkcd->bkc', src_dfe, tgt_dfe)
    w = jax.nn.softmax(sim, axis=-1)
    tgt_vcp = jnp.einsum('bkc,bkcd->bkd', w, cand)
    return key_xyz, tgt_vcp

if __name__ == "__main__":
    import jax
    _d = setup_inputs()
    print(jax.jit(kernel)(*tuple(_d.values())))

</pallas_src>

<mosaic_0001>
#map = affine_map<(d0, d1) -> (0, 0)>
#map1 = affine_map<(d0, d1) -> (0)>
module attributes {stable_mosaic.version = 14 : i64} {
  func.func @_sc_gather_body(%arg0: i32, %arg1: i32, %arg2: memref<32768x64xf32, #tpu.memory_space<hbm>>, %arg3: memref<32768x64xf32, #tpu.memory_space<hbm>>, %arg4: memref<8192xi32, #tpu.memory_space<hbm>>, %arg5: memref<110592xi32, #tpu.memory_space<hbm>>, %arg6: memref<8192x64xf32, #tpu.memory_space<hbm>>, %arg7: memref<110592x64xf32, #tpu.memory_space<hbm>>, %arg8: memref<128xi32, #tpu.memory_space<vmem>>, %arg9: memref<128x64xf32, #tpu.memory_space<vmem>>, %arg10: memref<!tpu.dma_semaphore, #tpu.memory_space<semaphore_mem>>) attributes {dimension_semantics = [#tpu.dimension_semantics<core_parallel>, #tpu.dimension_semantics<subcore_parallel>], iteration_bounds = array<i64: 2, 16>, scalar_prefetch = 0 : i64, scratch_operands = 3 : i64, tpu.core_type = #tpu.core_type<sc_vector_subcore>, window_params = [{transform_indices = #map}, {transform_indices = #map}, {transform_indices = #map1}, {transform_indices = #map1}, {transform_indices = #map}, {transform_indices = #map}]} {
    %mul3A = arith.constant 2 : i32
    %mul3A_0 = arith.muli %arg1, %mul3A : i32
    %add3A = arith.addi %mul3A_0, %arg0 : i32
    %mul3A_1 = arith.constant 256 : i32
    %mul3A_2 = arith.muli %add3A, %mul3A_1 : i32
    %scan3A = arith.constant 0 : i32
    %scan3A_3 = arith.constant 0 : i32
    %scan3A_4 = arith.constant 2 : i32
    %scan3A_5 = arith.addi %scan3A_3, %scan3A_4 : i32
    %scan3A_6 = arith.constant 1 : i32
    %scan3A_7 = scf.for %scan3A_18 = %scan3A_3 to %scan3A_5 step %scan3A_6 iter_args(%scan3A_19 = %scan3A) -> (i32)  : i32 {
      %mul3A_20 = arith.constant 128 : i32
      %mul3A_21 = arith.muli %scan3A_18, %mul3A_20 : i32
      %add3A_22 = arith.addi %mul3A_2, %mul3A_21 : i32
      "tpu.region"() ({
        %run_scoped3A = tpu.sem_alloc : memref<!tpu.dma_semaphore, #tpu.memory_space<semaphore_mem>>
        %dma_start3A_28 = tpu.memref_slice %arg4[%add3A_22] : memref<8192xi32, #tpu.memory_space<hbm>> -> memref<128xi32, #tpu.memory_space<hbm>>
        %dma_start3A_29 = tpu.memref_slice %arg4[%add3A_22] : memref<8192xi32, #tpu.memory_space<hbm>> -> memref<128xi32, #tpu.memory_space<hbm>>
        tpu.enqueue_dma source(%dma_start3A_29 : memref<128xi32, #tpu.memory_space<hbm>>) target(%arg8 : memref<128xi32, #tpu.memory_space<vmem>>) target_semaphore(%run_scoped3A : memref<!tpu.dma_semaphore, #tpu.memory_space<semaphore_mem>>)
        %dma_wait3A_30 = tpu.memref_slice %arg4[%add3A_22] : memref<8192xi32, #tpu.memory_space<hbm>> -> memref<128xi32, #tpu.memory_space<hbm>>
        %dma_wait3A_31 = tpu.memref_slice %arg4[%add3A_22] : memref<8192xi32, #tpu.memory_space<hbm>> -> memref<128xi32, #tpu.memory_space<hbm>>
        tpu.wait_dma2 semaphore(%run_scoped3A : memref<!tpu.dma_semaphore, #tpu.memory_space<semaphore_mem>>) src(%dma_wait3A_31 : memref<128xi32, #tpu.memory_space<hbm>>) dst(%arg8 : memref<128xi32, #tpu.memory_space<vmem>>)
        tpu.yield
      }) : () -> ()
      %dma_start3A = arith.constant 0 : i32
      %dma_start3A_23 = arith.constant 0 : i32
      %dma_start3A_24 = tpu.memref_slice %arg2[%dma_start3A, %dma_start3A_23] : memref<32768x64xf32, #tpu.memory_space<hbm>> -> memref<32768x64xf32, #tpu.memory_space<hbm>>
      tpu.enqueue_indirect_dma source(%dma_start3A_24 : memref<32768x64xf32, #tpu.memory_space<hbm>>) target(%arg9 : memref<128x64xf32, #tpu.memory_space<vmem>>) offsets(%arg8 : memref<128xi32, #tpu.memory_space<vmem>>) semaphore(%arg10 : memref<!tpu.dma_semaphore, #tpu.memory_space<semaphore_mem>>)
      %dma_wait3A = arith.constant 0 : i32
      %dma_wait3A_25 = arith.constant 0 : i32
      %dma_wait3A_26 = tpu.memref_slice %arg2[%dma_wait3A, %dma_wait3A_25] : memref<32768x64xf32, #tpu.memory_space<hbm>> -> memref<32768x64xf32, #tpu.memory_space<hbm>>
      tpu.wait_indirect_dma semaphore(%arg10 : memref<!tpu.dma_semaphore, #tpu.memory_space<semaphore_mem>>) src(%dma_wait3A_26 : memref<32768x64xf32, #tpu.memory_space<hbm>>) dst(%arg9 : memref<128x64xf32, #tpu.memory_space<vmem>>)
      "tpu.region"() ({
        %run_scoped3A = tpu.sem_alloc : memref<!tpu.dma_semaphore, #tpu.memory_space<semaphore_mem>>
        %dma_start3A_28 = arith.constant 0 : i32
        %dma_start3A_29 = tpu.memref_slice %arg6[%add3A_22, %dma_start3A_28] : memref<8192x64xf32, #tpu.memory_space<hbm>> -> memref<128x64xf32, #tpu.memory_space<hbm>>
        %dma_start3A_30 = arith.constant 0 : i32
        %dma_start3A_31 = tpu.memref_slice %arg6[%add3A_22, %dma_start3A_30] : memref<8192x64xf32, #tpu.memory_space<hbm>> -> memref<128x64xf32, #tpu.memory_space<hbm>>
        tpu.enqueue_dma source(%arg9 : memref<128x64xf32, #tpu.memory_space<vmem>>) target(%dma_start3A_31 : memref<128x64xf32, #tpu.memory_space<hbm>>) target_semaphore(%run_scoped3A : memref<!tpu.dma_semaphore, #tpu.memory_space<semaphore_mem>>)
        %dma_wait3A_32 = arith.constant 0 : i32
        %dma_wait3A_33 = tpu.memref_slice %arg6[%add3A_22, %dma_wait3A_32] : memref<8192x64xf32, #tpu.memory_space<hbm>> -> memref<128x64xf32, #tpu.memory_space<hbm>>
        %dma_wait3A_34 = arith.constant 0 : i32
        %dma_wait3A_35 = tpu.memref_slice %arg6[%add3A_22, %dma_wait3A_34] : memref<8192x64xf32, #tpu.memory_space<hbm>> -> memref<128x64xf32, #tpu.memory_space<hbm>>
        tpu.wait_dma2 semaphore(%run_scoped3A : memref<!tpu.dma_semaphore, #tpu.memory_space<semaphore_mem>>) src(%arg9 : memref<128x64xf32, #tpu.memory_space<vmem>>) dst(%dma_wait3A_35 : memref<128x64xf32, #tpu.memory_space<hbm>>)
        tpu.yield
      }) : () -> ()
      %scan3A_27 = arith.constant 0 : i32
      scf.yield %scan3A_27 : i32
    }
    %scan3A_8 = arith.constant 2 : i32
    %mul3A_9 = arith.constant 3456 : i32
    %mul3A_10 = arith.muli %add3A, %mul3A_9 : i32
    %scan3A_11 = arith.constant 0 : i32
    %scan3A_12 = arith.constant 0 : i32
    %scan3A_13 = arith.constant 27 : i32
    %scan3A_14 = arith.addi %scan3A_12, %scan3A_13 : i32
    %scan3A_15 = arith.constant 1 : i32
    %scan3A_16 = scf.for %scan3A_18 = %scan3A_12 to %scan3A_14 step %scan3A_15 iter_args(%scan3A_19 = %scan3A_11) -> (i32)  : i32 {
      %mul3A_20 = arith.constant 128 : i32
      %mul3A_21 = arith.muli %scan3A_18, %mul3A_20 : i32
      %add3A_22 = arith.addi %mul3A_10, %mul3A_21 : i32
      "tpu.region"() ({
        %run_scoped3A = tpu.sem_alloc : memref<!tpu.dma_semaphore, #tpu.memory_space<semaphore_mem>>
        %dma_start3A_28 = tpu.memref_slice %arg5[%add3A_22] : memref<110592xi32, #tpu.memory_space<hbm>> -> memref<128xi32, #tpu.memory_space<hbm>>
        %dma_start3A_29 = tpu.memref_slice %arg5[%add3A_22] : memref<110592xi32, #tpu.memory_space<hbm>> -> memref<128xi32, #tpu.memory_space<hbm>>
        tpu.enqueue_dma source(%dma_start3A_29 : memref<128xi32, #tpu.memory_space<hbm>>) target(%arg8 : memref<128xi32, #tpu.memory_space<vmem>>) target_semaphore(%run_scoped3A : memref<!tpu.dma_semaphore, #tpu.memory_space<semaphore_mem>>)
        %dma_wait3A_30 = tpu.memref_slice %arg5[%add3A_22] : memref<110592xi32, #tpu.memory_space<hbm>> -> memref<128xi32, #tpu.memory_space<hbm>>
        %dma_wait3A_31 = tpu.memref_slice %arg5[%add3A_22] : memref<110592xi32, #tpu.memory_space<hbm>> -> memref<128xi32, #tpu.memory_space<hbm>>
        tpu.wait_dma2 semaphore(%run_scoped3A : memref<!tpu.dma_semaphore, #tpu.memory_space<semaphore_mem>>) src(%dma_wait3A_31 : memref<128xi32, #tpu.memory_space<hbm>>) dst(%arg8 : memref<128xi32, #tpu.memory_space<vmem>>)
        tpu.yield
      }) : () -> ()
      %dma_start3A = arith.constant 0 : i32
      %dma_start3A_23 = arith.constant 0 : i32
      %dma_start3A_24 = tpu.memref_slice %arg3[%dma_start3A, %dma_start3A_23] : memref<32768x64xf32, #tpu.memory_space<hbm>> -> memref<32768x64xf32, #tpu.memory_space<hbm>>
      tpu.enqueue_indirect_dma source(%dma_start3A_24 : memref<32768x64xf32, #tpu.memory_space<hbm>>) target(%arg9 : memref<128x64xf32, #tpu.memory_space<vmem>>) offsets(%arg8 : memref<128xi32, #tpu.memory_space<vmem>>) semaphore(%arg10 : memref<!tpu.dma_semaphore, #tpu.memory_space<semaphore_mem>>)
      %dma_wait3A = arith.constant 0 : i32
      %dma_wait3A_25 = arith.constant 0 : i32
      %dma_wait3A_26 = tpu.memref_slice %arg3[%dma_wait3A, %dma_wait3A_25] : memref<32768x64xf32, #tpu.memory_space<hbm>> -> memref<32768x64xf32, #tpu.memory_space<hbm>>
      tpu.wait_indirect_dma semaphore(%arg10 : memref<!tpu.dma_semaphore, #tpu.memory_space<semaphore_mem>>) src(%dma_wait3A_26 : memref<32768x64xf32, #tpu.memory_space<hbm>>) dst(%arg9 : memref<128x64xf32, #tpu.memory_space<vmem>>)
      "tpu.region"() ({
        %run_scoped3A = tpu.sem_alloc : memref<!tpu.dma_semaphore, #tpu.memory_space<semaphore_mem>>
        %dma_start3A_28 = arith.constant 0 : i32
        %dma_start3A_29 = tpu.memref_slice %arg7[%add3A_22, %dma_start3A_28] : memref<110592x64xf32, #tpu.memory_space<hbm>> -> memref<128x64xf32, #tpu.memory_space<hbm>>
        %dma_start3A_30 = arith.constant 0 : i32
        %dma_start3A_31 = tpu.memref_slice %arg7[%add3A_22, %dma_start3A_30] : memref<110592x64xf32, #tpu.memory_space<hbm>> -> memref<128x64xf32, #tpu.memory_space<hbm>>
        tpu.enqueue_dma source(%arg9 : memref<128x64xf32, #tpu.memory_space<vmem>>) target(%dma_start3A_31 : memref<128x64xf32, #tpu.memory_space<hbm>>) target_semaphore(%run_scoped3A : memref<!tpu.dma_semaphore, #tpu.memory_space<semaphore_mem>>)
        %dma_wait3A_32 = arith.constant 0 : i32
        %dma_wait3A_33 = tpu.memref_slice %arg7[%add3A_22, %dma_wait3A_32] : memref<110592x64xf32, #tpu.memory_space<hbm>> -> memref<128x64xf32, #tpu.memory_space<hbm>>
        %dma_wait3A_34 = arith.constant 0 : i32
        %dma_wait3A_35 = tpu.memref_slice %arg7[%add3A_22, %dma_wait3A_34] : memref<110592x64xf32, #tpu.memory_space<hbm>> -> memref<128x64xf32, #tpu.memory_space<hbm>>
        tpu.wait_dma2 semaphore(%run_scoped3A : memref<!tpu.dma_semaphore, #tpu.memory_space<semaphore_mem>>) src(%arg9 : memref<128x64xf32, #tpu.memory_space<vmem>>) dst(%dma_wait3A_35 : memref<128x64xf32, #tpu.memory_space<hbm>>)
        tpu.yield
      }) : () -> ()
      %scan3A_27 = arith.constant 0 : i32
      scf.yield %scan3A_27 : i32
    }
    %scan3A_17 = arith.constant 27 : i32
    return
  }
}

module attributes {stable_mosaic.version = 14 : i64} {
  func.func @_k1_body(%arg0: i32, %arg1: memref<1x8192x8xf32, #tpu.memory_space<vmem>>, %arg2: memref<8x32xf32, #tpu.memory_space<vmem>>, %arg3: memref<1x32xf32, #tpu.memory_space<vmem>>, %arg4: memref<32x32xf32, #tpu.memory_space<vmem>>, %arg5: memref<1x32xf32, #tpu.memory_space<vmem>>, %arg6: memref<32x1xf32, #tpu.memory_space<vmem>>, %arg7: memref<8x64xf32, #tpu.memory_space<vmem>>, %arg8: memref<32x64xf32, #tpu.memory_space<vmem>>, %arg9: memref<1x8192x64xf32, #tpu.memory_space<vmem>>, %arg10: memref<1x8192x1xf32, #tpu.memory_space<vmem>>) attributes {dimension_semantics = [#tpu.dimension_semantics<arbitrary>], iteration_bounds = array<i64: 8>, scalar_prefetch = 0 : i64, scratch_operands = 0 : i64, tpu.core_type = #tpu.core_type<tc>, window_params = [{transform_indices = @transform_0, window_bounds = array<i64: 1, 8192, 8>}, {pipeline_mode = #tpu.pipeline_mode<synchronous>, transform_indices = @transform_1, window_bounds = array<i64: 8, 32>}, {pipeline_mode = #tpu.pipeline_mode<synchronous>, transform_indices = @transform_2, window_bounds = array<i64: 1, 32>}, {pipeline_mode = #tpu.pipeline_mode<synchronous>, transform_indices = @transform_3, window_bounds = array<i64: 32, 32>}, {pipeline_mode = #tpu.pipeline_mode<synchronous>, transform_indices = @transform_4, window_bounds = array<i64: 1, 32>}, {pipeline_mode = #tpu.pipeline_mode<synchronous>, transform_indices = @transform_5, window_bounds = array<i64: 32, 1>}, {pipeline_mode = #tpu.pipeline_mode<synchronous>, transform_indices = @transform_6, window_bounds = array<i64: 8, 64>}, {pipeline_mode = #tpu.pipeline_mode<synchronous>, transform_indices = @transform_7, window_bounds = array<i64: 32, 64>}, {transform_indices = @transform_8, window_bounds = array<i64: 1, 8192, 64>}, {transform_indices = @transform_9, window_bounds = array<i64: 1, 8192, 1>}]} {
    %get3A = arith.constant 0 : index
    %get3A_0 = arith.constant 0 : index
    %get3A_1 = arith.constant 0 : index
    %get3A_2 = vector.load %arg1[%get3A, %get3A_0, %get3A_1] : memref<1x8192x8xf32, #tpu.memory_space<vmem>>, vector<1x8192x8xf32>
    %get3A_3 = vector.shape_cast %get3A_2 : vector<1x8192x8xf32> to vector<8192x8xf32>
    %get3A_4 = arith.constant 0 : index
    %get3A_5 = arith.constant 0 : index
    %get3A_6 = vector.load %arg2[%get3A_4, %get3A_5] : memref<8x32xf32, #tpu.memory_space<vmem>>, vector<8x32xf32>
    %dot_general3A = arith.constant dense<0.000000e+00> : vector<8192x32xf32>
    %dot_general3A_7 = tpu.matmul %get3A_3, %get3A_6, %dot_general3A {dimension_numbers = #tpu.dot_dimension_numbers<[1], [0], [0], [1], [0, 0, 1, 1], [], []>, transpose_lhs_hint = false} : vector<8192x8xf32>, vector<8x32xf32>, vector<8192x32xf32> -> vector<8192x32xf32>
    %get3A_8 = arith.constant 0 : index
    %get3A_9 = arith.constant 0 : index
    %get3A_10 = vector.load %arg3[%get3A_8, %get3A_9] : memref<1x32xf32, #tpu.memory_space<vmem>>, vector<1x32xf32>
    %add3A = vector.broadcast %get3A_10 : vector<1x32xf32> to vector<8192x32xf32>
    %add3A_11 = arith.addf %dot_general3A_7, %add3A : vector<8192x32xf32>
    %max3A = arith.constant 0.000000e+00 : f32
    %max3A_12 = vector.broadcast %max3A : f32 to vector<8192x32xf32>
    %max3A_13 = arith.maximumf %add3A_11, %max3A_12 : vector<8192x32xf32>
    %get3A_14 = arith.constant 0 : index
    %get3A_15 = arith.constant 0 : index
    %get3A_16 = vector.load %arg4[%get3A_14, %get3A_15] : memref<32x32xf32, #tpu.memory_space<vmem>>, vector<32x32xf32>
    %dot_general3A_17 = arith.constant dense<0.000000e+00> : vector<8192x32xf32>
    %dot_general3A_18 = tpu.matmul %max3A_13, %get3A_16, %dot_general3A_17 {dimension_numbers = #tpu.dot_dimension_numbers<[1], [0], [0], [1], [0, 0, 1, 1], [], []>, transpose_lhs_hint = false} : vector<8192x32xf32>, vector<32x32xf32>, vector<8192x32xf32> -> vector<8192x32xf32>
    %get3A_19 = arith.constant 0 : index
    %get3A_20 = arith.constant 0 : index
    %get3A_21 = vector.load %arg5[%get3A_19, %get3A_20] : memref<1x32xf32, #tpu.memory_space<vmem>>, vector<1x32xf32>
    %add3A_22 = vector.broadcast %get3A_21 : vector<1x32xf32> to vector<8192x32xf32>
    %add3A_23 = arith.addf %dot_general3A_18, %add3A_22 : vector<8192x32xf32>
    %max3A_24 = arith.constant 0.000000e+00 : f32
    %max3A_25 = vector.broadcast %max3A_24 : f32 to vector<8192x32xf32>
    %max3A_26 = arith.maximumf %add3A_23, %max3A_25 : vector<8192x32xf32>
    %get3A_27 = arith.constant 0 : index
    %get3A_28 = arith.constant 0 : index
    %get3A_29 = vector.load %arg6[%get3A_27, %get3A_28] : memref<32x1xf32, #tpu.memory_space<vmem>>, vector<32x1xf32>
    %dot_general3A_30 = arith.constant dense<0.000000e+00> : vector<8192x1xf32>
    %dot_general3A_31 = tpu.matmul %max3A_26, %get3A_29, %dot_general3A_30 {dimension_numbers = #tpu.dot_dimension_numbers<[1], [0], [0], [1], [0, 0, 1, 1], [], []>, transpose_lhs_hint = false} : vector<8192x32xf32>, vector<32x1xf32>, vector<8192x1xf32> -> vector<8192x1xf32>
    %swap3A = arith.constant 0 : index
    %swap3A_32 = arith.constant 0 : index
    %swap3A_33 = arith.constant 0 : index
    %swap3A_34 = vector.load %arg10[%swap3A, %swap3A_32, %swap3A_33] : memref<1x8192x1xf32, #tpu.memory_space<vmem>>, vector<1x8192x1xf32>
    %swap3A_35 = vector.shape_cast %swap3A_34 : vector<1x8192x1xf32> to vector<8192x1xf32>
    %swap3A_36 = vector.shape_cast %dot_general3A_31 : vector<8192x1xf32> to vector<1x8192x1xf32>
    tpu.vector_store %arg10[%swap3A, %swap3A_32, %swap3A_33], %swap3A_36 {strides = array<i32>} : memref<1x8192x1xf32, #tpu.memory_space<vmem>>, vector<1x8192x1xf32>,
    %get3A_37 = arith.constant 0 : index
    %get3A_38 = arith.constant 0 : index
    %get3A_39 = vector.load %arg7[%get3A_37, %get3A_38] : memref<8x64xf32, #tpu.memory_space<vmem>>, vector<8x64xf32>
    %dot_general3A_40 = arith.constant dense<0.000000e+00> : vector<8192x64xf32>
    %dot_general3A_41 = tpu.matmul %get3A_3, %get3A_39, %dot_general3A_40 {dimension_numbers = #tpu.dot_dimension_numbers<[1], [0], [0], [1], [0, 0, 1, 1], [], []>, transpose_lhs_hint = false} : vector<8192x8xf32>, vector<8x64xf32>, vector<8192x64xf32> -> vector<8192x64xf32>
    %get3A_42 = arith.constant 0 : index
    %get3A_43 = arith.constant 0 : index
    %get3A_44 = vector.load %arg8[%get3A_42, %get3A_43] : memref<32x64xf32, #tpu.memory_space<vmem>>, vector<32x64xf32>
    %dot_general3A_45 = arith.constant dense<0.000000e+00> : vector<8192x64xf32>
    %dot_general3A_46 = tpu.matmul %max3A_26, %get3A_44, %dot_general3A_45 {dimension_numbers = #tpu.dot_dimension_numbers<[1], [0], [0], [1], [0, 0, 1, 1], [], []>, transpose_lhs_hint = false} : vector<8192x32xf32>, vector<32x64xf32>, vector<8192x64xf32> -> vector<8192x64xf32>
    %add3A_47 = arith.addf %dot_general3A_41, %dot_general3A_46 : vector<8192x64xf32>
    %swap3A_48 = arith.constant 0 : index
    %swap3A_49 = arith.constant 0 : index
    %swap3A_50 = arith.constant 0 : index
    %swap3A_51 = vector.load %arg9[%swap3A_48, %swap3A_49, %swap3A_50] : memref<1x8192x64xf32, #tpu.memory_space<vmem>>, vector<1x8192x64xf32>
    %swap3A_52 = vector.shape_cast %swap3A_51 : vector<1x8192x64xf32> to vector<8192x64xf32>
    %swap3A_53 = vector.shape_cast %add3A_47 : vector<8192x64xf32> to vector<1x8192x64xf32>
    tpu.vector_store %arg9[%swap3A_48, %swap3A_49, %swap3A_50], %swap3A_53 {strides = array<i32>} : memref<1x8192x64xf32, #tpu.memory_space<vmem>>, vector<1x8192x64xf32>,
    return
  }
  func.func @transform_0(%arg0: i32) -> (i32, i32, i32) {
    %c0_i32 = arith.constant 0 : i32
    %c0_i32_0 = arith.constant 0 : i32
    %c0_i32_1 = arith.constant 0 : i32
    return %arg0, %c0_i32, %c0_i32_0 : i32, i32, i32
  }
  func.func @transform_1(%arg0: i32) -> (i32, i32) {
    %c0_i32 = arith.constant 0 : i32
    %c0_i32_0 = arith.constant 0 : i32
    %c0_i32_1 = arith.constant 0 : i32
    return %c0_i32, %c0_i32_0 : i32, i32
  }
  func.func @transform_2(%arg0: i32) -> (i32, i32) {
    %c0_i32 = arith.constant 0 : i32
    %c0_i32_0 = arith.constant 0 : i32
    %c0_i32_1 = arith.constant 0 : i32
    return %c0_i32, %c0_i32_0 : i32, i32
  }
  func.func @transform_3(%arg0: i32) -> (i32, i32) {
    %c0_i32 = arith.constant 0 : i32
    %c0_i32_0 = arith.constant 0 : i32
    %c0_i32_1 = arith.constant 0 : i32
    return %c0_i32, %c0_i32_0 : i32, i32
  }
  func.func @transform_4(%arg0: i32) -> (i32, i32) {
    %c0_i32 = arith.constant 0 : i32
    %c0_i32_0 = arith.constant 0 : i32
    %c0_i32_1 = arith.constant 0 : i32
    return %c0_i32, %c0_i32_0 : i32, i32
  }
  func.func @transform_5(%arg0: i32) -> (i32, i32) {
    %c0_i32 = arith.constant 0 : i32
    %c0_i32_0 = arith.constant 0 : i32
    %c0_i32_1 = arith.constant 0 : i32
    return %c0_i32, %c0_i32_0 : i32, i32
  }
  func.func @transform_6(%arg0: i32) -> (i32, i32) {
    %c0_i32 = arith.constant 0 : i32
    %c0_i32_0 = arith.constant 0 : i32
    %c0_i32_1 = arith.constant 0 : i32
    return %c0_i32, %c0_i32_0 : i32, i32
  }
  func.func @transform_7(%arg0: i32) -> (i32, i32) {
    %c0_i32 = arith.constant 0 : i32
    %c0_i32_0 = arith.constant 0 : i32
    %c0_i32_1 = arith.constant 0 : i32
    return %c0_i32, %c0_i32_0 : i32, i32
  }
  func.func @transform_8(%arg0: i32) -> (i32, i32, i32) {
    %c0_i32 = arith.constant 0 : i32
    %c0_i32_0 = arith.constant 0 : i32
    %c0_i32_1 = arith.constant 0 : i32
    return %arg0, %c0_i32, %c0_i32_0 : i32, i32, i32
  }
  func.func @transform_9(%arg0: i32) -> (i32, i32, i32) {
    %c0_i32 = arith.constant 0 : i32
    %c0_i32_0 = arith.constant 0 : i32
    %c0_i32_1 = arith.constant 0 : i32
    return %arg0, %c0_i32, %c0_i32_0 : i32, i32, i32
  }
}

module attributes {stable_mosaic.version = 14 : i64} {
  func.func @_knn_body(%arg0: i32, %arg1: i32, %arg2: memref<1x64x8xf32, #tpu.memory_space<vmem>>, %arg3: memref<1x3x8192xf32, #tpu.memory_space<vmem>>, %arg4: memref<1x64x32xi32, #tpu.memory_space<vmem>>) attributes {dimension_semantics = [#tpu.dimension_semantics<arbitrary>, #tpu.dimension_semantics<arbitrary>], iteration_bounds = array<i64: 4, 1>, scalar_prefetch = 0 : i64, scratch_operands = 0 : i64, tpu.core_type = #tpu.core_type<tc>, window_params = [{transform_indices = @transform_0, window_bounds = array<i64: 1, 64, 8>}, {transform_indices = @transform_1, window_bounds = array<i64: 1, 3, 8192>}, {transform_indices = @transform_2, window_bounds = array<i64: 1, 64, 32>}]} {
    %get3A = arith.constant 0 : index
    %get3A_0 = arith.constant 0 : index
    %get3A_1 = arith.constant 0 : index
    %get3A_2 = vector.load %arg2[%get3A, %get3A_0, %get3A_1] : memref<1x64x8xf32, #tpu.memory_space<vmem>>, vector<1x64x8xf32>
    %get3A_3 = vector.shape_cast %get3A_2 : vector<1x64x8xf32> to vector<64x8xf32>
    %get3A_4 = arith.constant 0 : index
    %get3A_5 = arith.constant 0 : index
    %get3A_6 = arith.constant 0 : index
    %get3A_7 = vector.load %arg3[%get3A_4, %get3A_5, %get3A_6] : memref<1x3x8192xf32, #tpu.memory_space<vmem>>, vector<1x3x8192xf32>
    %get3A_8 = vector.shape_cast %get3A_7 : vector<1x3x8192xf32> to vector<3x8192xf32>
    %slice3A = vector.extract_strided_slice %get3A_3 {offsets = [0, 0], sizes = [64, 1], strides = [1, 1]} : vector<64x8xf32> to vector<64x1xf32>
    %slice3A_9 = vector.extract_strided_slice %get3A_3 {offsets = [0, 1], sizes = [64, 1], strides = [1, 1]} : vector<64x8xf32> to vector<64x1xf32>
    %slice3A_10 = vector.extract_strided_slice %get3A_3 {offsets = [0, 2], sizes = [64, 1], strides = [1, 1]} : vector<64x8xf32> to vector<64x1xf32>
    %mul3A = arith.mulf %slice3A, %slice3A : vector<64x1xf32>
    %mul3A_11 = arith.mulf %slice3A_9, %slice3A_9 : vector<64x1xf32>
    %add3A = arith.addf %mul3A, %mul3A_11 : vector<64x1xf32>
    %mul3A_12 = arith.mulf %slice3A_10, %slice3A_10 : vector<64x1xf32>
    %add3A_13 = arith.addf %add3A, %mul3A_12 : vector<64x1xf32>
    %mul3A_14 = arith.mulf %get3A_8, %get3A_8 : vector<3x8192xf32>
    %reduce_sum3A = arith.constant dense<0.000000e+00> : vector<8192xf32>
    %reduce_sum3A_15 = vector.multi_reduction <add>, %mul3A_14, %reduce_sum3A [0] : vector<3x8192xf32> to vector<8192xf32>
    %broadcast_in_dim3A = vector.shape_cast %reduce_sum3A_15 : vector<8192xf32> to vector<1x8192xf32>
    %slice3A_16 = vector.extract_strided_slice %get3A_8 {offsets = [0, 0], sizes = [1, 8192], strides = [1, 1]} : vector<3x8192xf32> to vector<1x8192xf32>
    %mul3A_17 = vector.broadcast %slice3A : vector<64x1xf32> to vector<64x8192xf32>
    %mul3A_18 = vector.broadcast %slice3A_16 : vector<1x8192xf32> to vector<64x8192xf32>
    %mul3A_19 = arith.mulf %mul3A_17, %mul3A_18 : vector<64x8192xf32>
    %slice3A_20 = vector.extract_strided_slice %get3A_8 {offsets = [1, 0], sizes = [1, 8192], strides = [1, 1]} : vector<3x8192xf32> to vector<1x8192xf32>
    %mul3A_21 = vector.broadcast %slice3A_9 : vector<64x1xf32> to vector<64x8192xf32>
    %mul3A_22 = vector.broadcast %slice3A_20 : vector<1x8192xf32> to vector<64x8192xf32>
    %mul3A_23 = arith.mulf %mul3A_21, %mul3A_22 : vector<64x8192xf32>
    %add3A_24 = arith.addf %mul3A_19, %mul3A_23 : vector<64x8192xf32>
    %slice3A_25 = vector.extract_strided_slice %get3A_8 {offsets = [2, 0], sizes = [1, 8192], strides = [1, 1]} : vector<3x8192xf32> to vector<1x8192xf32>
    %mul3A_26 = vector.broadcast %slice3A_10 : vector<64x1xf32> to vector<64x8192xf32>
    %mul3A_27 = vector.broadcast %slice3A_25 : vector<1x8192xf32> to vector<64x8192xf32>
    %mul3A_28 = arith.mulf %mul3A_26, %mul3A_27 : vector<64x8192xf32>
    %add3A_29 = arith.addf %add3A_24, %mul3A_28 : vector<64x8192xf32>
    %add3A_30 = vector.broadcast %add3A_13 : vector<64x1xf32> to vector<64x8192xf32>
    %add3A_31 = vector.broadcast %broadcast_in_dim3A : vector<1x8192xf32> to vector<64x8192xf32>
    %add3A_32 = arith.addf %add3A_30, %add3A_31 : vector<64x8192xf32>
    %mul3A_33 = arith.constant 2.000000e+00 : f32
    %mul3A_34 = vector.broadcast %mul3A_33 : f32 to vector<64x8192xf32>
    %mul3A_35 = arith.mulf %mul3A_34, %add3A_29 : vector<64x8192xf32>
    %sub3A = arith.subf %add3A_32, %mul3A_35 : vector<64x8192xf32>
    %iota3A = tpu.iota {dimensions = array<i32: 1>} : vector<64x8192xi32>
    %iota3A_36 = tpu.iota {dimensions = array<i32: 1>} : vector<64x32xi32>
    %broadcast_in_dim3A_37 = arith.constant 0 : i32
    %broadcast_in_dim3A_38 = vector.broadcast %broadcast_in_dim3A_37 : i32 to vector<64x32xi32>
    %scan3A = arith.constant 1073741824 : i32
    %scan3A_39 = arith.constant 0 : i32
    %scan3A_40 = arith.constant 32 : i32
    %scan3A_41 = arith.addi %scan3A_39, %scan3A_40 : i32
    %scan3A_42 = arith.constant 1 : i32
    %scan3A_43:2 = scf.for %scan3A_50 = %scan3A_39 to %scan3A_41 step %scan3A_42 iter_args(%scan3A_51 = %sub3A, %scan3A_52 = %broadcast_in_dim3A_38) -> (vector<64x8192xf32>, vector<64x32xi32>)  : i32 {
      %reduce_min3A = arith.constant dense<0x7F800000> : vector<64xf32>
      %reduce_min3A_53 = vector.multi_reduction <minimumf>, %scan3A_51, %reduce_min3A [1] : vector<64x8192xf32> to vector<64xf32>
      %broadcast_in_dim3A_54 = vector.shape_cast %reduce_min3A_53 : vector<64xf32> to vector<64x1xf32>
      %eq3A = vector.broadcast %broadcast_in_dim3A_54 : vector<64x1xf32> to vector<64x8192xf32>
      %eq3A_55 = arith.cmpf oeq, %scan3A_51, %eq3A : vector<64x8192xf32>
      %broadcast_in_dim3A_56 = vector.broadcast %scan3A : i32 to vector<64x8192xi32>
      %select_n3A = arith.select %eq3A_55, %iota3A, %broadcast_in_dim3A_56 : vector<64x8192xi1>, vector<64x8192xi32>
      %reduce_min3A_57 = arith.constant dense<2147483647> : vector<64xi32>
      %reduce_min3A_58 = vector.multi_reduction <minsi>, %select_n3A, %reduce_min3A_57 [1] : vector<64x8192xi32> to vector<64xi32>
      %broadcast_in_dim3A_59 = vector.shape_cast %reduce_min3A_58 : vector<64xi32> to vector<64x1xi32>
      %eq3A_60 = vector.broadcast %broadcast_in_dim3A_59 : vector<64x1xi32> to vector<64x8192xi32>
      %eq3A_61 = arith.cmpi eq, %select_n3A, %eq3A_60 : vector<64x8192xi32>
      %jit3A = arith.constant 0x7F800000 : f32
      %broadcast_in_dim3A_62 = vector.broadcast %jit3A : f32 to vector<64x8192xf32>
      %select_n3A_63 = arith.select %eq3A_61, %broadcast_in_dim3A_62, %scan3A_51 : vector<64x8192xi1>, vector<64x8192xf32>
      %eq3A_64 = vector.broadcast %scan3A_50 : i32 to vector<64x32xi32>
      %eq3A_65 = arith.cmpi eq, %iota3A_36, %eq3A_64 : vector<64x32xi32>
      %mul3A_66 = arith.constant 8192 : i32
      %mul3A_67 = arith.muli %arg0, %mul3A_66 : i32
      %add3A_68 = vector.broadcast %mul3A_67 : i32 to vector<64x1xi32>
      %add3A_69 = arith.addi %broadcast_in_dim3A_59, %add3A_68 : vector<64x1xi32>
      %broadcast_in_dim3A_70 = vector.shape_cast %add3A_69 : vector<64x1xi32> to vector<64x1xi32>
      %broadcast_in_dim3A_71 = vector.broadcast %broadcast_in_dim3A_70 : vector<64x1xi32> to vector<64x32xi32>
      %select_n3A_72 = arith.select %eq3A_65, %broadcast_in_dim3A_71, %scan3A_52 : vector<64x32xi1>, vector<64x32xi32>
      scf.yield %select_n3A_63, %select_n3A_72 : vector<64x8192xf32>, vector<64x32xi32>
    }
    %scan3A_44 = arith.constant 32 : i32
    %swap3A = arith.constant 0 : index
    %swap3A_45 = arith.constant 0 : index
    %swap3A_46 = arith.constant 0 : index
    %swap3A_47 = vector.load %arg4[%swap3A, %swap3A_45, %swap3A_46] : memref<1x64x32xi32, #tpu.memory_space<vmem>>, vector<1x64x32xi32>
    %swap3A_48 = vector.shape_cast %swap3A_47 : vector<1x64x32xi32> to vector<64x32xi32>
    %swap3A_49 = vector.shape_cast %scan3A_43#1 : vector<64x32xi32> to vector<1x64x32xi32>
    tpu.vector_store %arg4[%swap3A, %swap3A_45, %swap3A_46], %swap3A_49 {strides = array<i32>} : memref<1x64x32xi32, #tpu.memory_space<vmem>>, vector<1x64x32xi32>,
    return
  }
  func.func @transform_0(%arg0: i32, %arg1: i32) -> (i32, i32, i32) {
    %c0_i32 = arith.constant 0 : i32
    %c0_i32_0 = arith.constant 0 : i32
    return %arg0, %arg1, %c0_i32 : i32, i32, i32
  }
  func.func @transform_1(%arg0: i32, %arg1: i32) -> (i32, i32, i32) {
    %c0_i32 = arith.constant 0 : i32
    %c0_i32_0 = arith.constant 0 : i32
    %c0_i32_1 = arith.constant 0 : i32
    return %arg0, %c0_i32, %c0_i32_0 : i32, i32, i32
  }
  func.func @transform_2(%arg0: i32, %arg1: i32) -> (i32, i32, i32) {
    %c0_i32 = arith.constant 0 : i32
    %c0_i32_0 = arith.constant 0 : i32
    return %arg0, %arg1, %c0_i32 : i32, i32, i32
  }
}

module attributes {stable_mosaic.version = 14 : i64} {
  func.func @_k2_body(%arg0: i32, %arg1: memref<1x64x128xf32, #tpu.memory_space<vmem>>, %arg2: memref<1x8192x8xf32, #tpu.memory_space<vmem>>, %arg3: memref<8x8xf32, #tpu.memory_space<vmem>>, %arg4: memref<1x8xf32, #tpu.memory_space<vmem>>, %arg5: memref<27x8xf32, #tpu.memory_space<vmem>>, %arg6: memref<8x64xf32, #tpu.memory_space<vmem>>, %arg7: memref<1x64xf32, #tpu.memory_space<vmem>>, %arg8: memref<1x64x8xf32, #tpu.memory_space<vmem>>, %arg9: memref<1x1728x8xf32, #tpu.memory_space<vmem>>, %arg10: memref<1x64x64xf32, #tpu.memory_space<vmem>>, %arg11: memref<1x1728x64xf32, #tpu.memory_space<vmem>>) attributes {dimension_semantics = [#tpu.dimension_semantics<arbitrary>], iteration_bounds = array<i64: 4>, scalar_prefetch = 0 : i64, scratch_operands = 0 : i64, tpu.core_type = #tpu.core_type<tc>, window_params = [{transform_indices = @transform_0, window_bounds = array<i64: 1, 64, 128>}, {transform_indices = @transform_1, window_bounds = array<i64: 1, 8192, 8>}, {pipeline_mode = #tpu.pipeline_mode<synchronous>, transform_indices = @transform_2, window_bounds = array<i64: 8, 8>}, {pipeline_mode = #tpu.pipeline_mode<synchronous>, transform_indices = @transform_3, window_bounds = array<i64: 1, 8>}, {pipeline_mode = #tpu.pipeline_mode<synchronous>, transform_indices = @transform_4, window_bounds = array<i64: 27, 8>}, {pipeline_mode = #tpu.pipeline_mode<synchronous>, transform_indices = @transform_5, window_bounds = array<i64: 8, 64>}, {pipeline_mode = #tpu.pipeline_mode<synchronous>, transform_indices = @transform_6, window_bounds = array<i64: 1, 64>}, {transform_indices = @transform_7, window_bounds = array<i64: 1, 64, 8>}, {transform_indices = @transform_8, window_bounds = array<i64: 1, 1728, 8>}, {transform_indices = @transform_9, window_bounds = array<i64: 1, 64, 64>}, {transform_indices = @transform_10, window_bounds = array<i64: 1, 1728, 64>}]} {
    %get3A = arith.constant 0 : index
    %get3A_0 = arith.constant 0 : index
    %get3A_1 = arith.constant 0 : index
    %get3A_2 = vector.load %arg1[%get3A, %get3A_0, %get3A_1] : memref<1x64x128xf32, #tpu.memory_space<vmem>>, vector<1x64x128xf32>
    %get3A_3 = vector.shape_cast %get3A_2 : vector<1x64x128xf32> to vector<64x128xf32>
    %iota3A = tpu.iota {dimensions = array<i32: 0>} : vector<64x128xi32>
    %mul3A = arith.constant 128 : i32
    %mul3A_4 = vector.broadcast %mul3A : i32 to vector<64x128xi32>
    %mul3A_5 = arith.muli %iota3A, %mul3A_4 : vector<64x128xi32>
    %iota3A_6 = tpu.iota {dimensions = array<i32: 1>} : vector<64x128xi32>
    %add3A = arith.addi %mul3A_5, %iota3A_6 : vector<64x128xi32>
    %scan3A = arith.constant 0 : i32
    %scan3A_7 = arith.constant 64 : i32
    %scan3A_8 = arith.addi %scan3A, %scan3A_7 : i32
    %scan3A_9 = arith.constant 1 : i32
    %scan3A_10 = scf.for %scan3A_69 = %scan3A to %scan3A_8 step %scan3A_9 iter_args(%scan3A_70 = %get3A_3) -> (vector<64x128xf32>)  : i32 {
      %reduce_max3A = vector.shape_cast %scan3A_70 : vector<64x128xf32> to vector<1x64x128xf32>
      %reduce_max3A_71 = arith.constant dense<0xFF800000> : vector<1xf32>
      %reduce_max3A_72 = vector.multi_reduction <maximumf>, %reduce_max3A, %reduce_max3A_71 [1, 2] : vector<1x64x128xf32> to vector<1xf32>
      %reduce_max3A_73 = vector.shape_cast %reduce_max3A_72 : vector<1xf32> to vector<1x1x1xf32>
      %reduce_max3A_74 = vector.extract %reduce_max3A_73[0, 0, 0] : f32 from vector<1x1x1xf32>
      %eq3A = vector.broadcast %reduce_max3A_74 : f32 to vector<64x128xf32>
      %eq3A_75 = arith.cmpf oeq, %scan3A_70, %eq3A : vector<64x128xf32>
      %jit3A = arith.constant 1073741824 : i32
      %broadcast_in_dim3A_76 = vector.broadcast %jit3A : i32 to vector<64x128xi32>
      %select_n3A = arith.select %eq3A_75, %add3A, %broadcast_in_dim3A_76 : vector<64x128xi1>, vector<64x128xi32>
      %reduce_min3A = vector.shape_cast %select_n3A : vector<64x128xi32> to vector<1x64x128xi32>
      %reduce_min3A_77 = arith.constant dense<2147483647> : vector<1xi32>
      %reduce_min3A_78 = vector.multi_reduction <minsi>, %reduce_min3A, %reduce_min3A_77 [1, 2] : vector<1x64x128xi32> to vector<1xi32>
      %reduce_min3A_79 = vector.shape_cast %reduce_min3A_78 : vector<1xi32> to vector<1x1x1xi32>
      %reduce_min3A_80 = vector.extract %reduce_min3A_79[0, 0, 0] : i32 from vector<1x1x1xi32>
      %get3A_81 = arith.constant 0 : index
      %get3A_82 = arith.index_cast %reduce_min3A_80 : i32 to index
      %get3A_83 = arith.constant 0 : index
      %get3A_84 = vector.load %arg2[%get3A_81, %get3A_82, %get3A_83] : memref<1x8192x8xf32, #tpu.memory_space<vmem>>, vector<1x1x8xf32>
      %get3A_85 = vector.shape_cast %get3A_84 : vector<1x1x8xf32> to vector<1x8xf32>
      %swap3A_86 = arith.constant 0 : index
      %swap3A_87 = arith.index_cast %scan3A_69 : i32 to index
      %swap3A_88 = arith.constant 0 : index
      %swap3A_89 = vector.load %arg8[%swap3A_86, %swap3A_87, %swap3A_88] : memref<1x64x8xf32, #tpu.memory_space<vmem>>, vector<1x1x8xf32>
      %swap3A_90 = vector.shape_cast %swap3A_89 : vector<1x1x8xf32> to vector<1x8xf32>
      %swap3A_91 = vector.shape_cast %get3A_85 : vector<1x8xf32> to vector<1x1x8xf32>
      tpu.vector_store %arg8[%swap3A_86, %swap3A_87, %swap3A_88], %swap3A_91 {strides = array<i32>} : memref<1x64x8xf32, #tpu.memory_space<vmem>>, vector<1x1x8xf32>,
      %eq3A_92 = vector.broadcast %reduce_min3A_80 : i32 to vector<64x128xi32>
      %eq3A_93 = arith.cmpi eq, %add3A, %eq3A_92 : vector<64x128xi32>
      %jit3A_94 = arith.constant 0xFF800000 : f32
      %broadcast_in_dim3A_95 = vector.broadcast %jit3A_94 : f32 to vector<64x128xf32>
      %select_n3A_96 = arith.select %eq3A_93, %broadcast_in_dim3A_95, %scan3A_70 : vector<64x128xi1>, vector<64x128xf32>
      scf.yield %select_n3A_96 : vector<64x128xf32>
    }
    %scan3A_11 = arith.constant 64 : i32
    %get3A_12 = arith.constant 0 : index
    %get3A_13 = arith.constant 0 : index
    %get3A_14 = arith.constant 0 : index
    %get3A_15 = vector.load %arg8[%get3A_12, %get3A_13, %get3A_14] : memref<1x64x8xf32, #tpu.memory_space<vmem>>, vector<1x64x8xf32>
    %get3A_16 = vector.shape_cast %get3A_15 : vector<1x64x8xf32> to vector<64x8xf32>
    %get3A_17 = arith.constant 0 : index
    %get3A_18 = arith.constant 0 : index
    %get3A_19 = vector.load %arg3[%get3A_17, %get3A_18] : memref<8x8xf32, #tpu.memory_space<vmem>>, vector<8x8xf32>
    %dot_general3A = arith.constant dense<0.000000e+00> : vector<64x8xf32>
    %dot_general3A_20 = tpu.matmul %get3A_16, %get3A_19, %dot_general3A {dimension_numbers = #tpu.dot_dimension_numbers<[1], [0], [0], [1], [0, 0, 1, 1], [], []>, transpose_lhs_hint = false} : vector<64x8xf32>, vector<8x8xf32>, vector<64x8xf32> -> vector<64x8xf32>
    %get3A_21 = arith.constant 0 : index
    %get3A_22 = arith.constant 0 : index
    %get3A_23 = vector.load %arg4[%get3A_21, %get3A_22] : memref<1x8xf32, #tpu.memory_space<vmem>>, vector<1x8xf32>
    %add3A_24 = vector.broadcast %get3A_23 : vector<1x8xf32> to vector<64x8xf32>
    %add3A_25 = arith.addf %dot_general3A_20, %add3A_24 : vector<64x8xf32>
    %broadcast_in_dim3A = vector.shape_cast %add3A_25 : vector<64x8xf32> to vector<64x1x8xf32>
    %get3A_26 = arith.constant 0 : index
    %get3A_27 = arith.constant 0 : index
    %get3A_28 = vector.load %arg5[%get3A_26, %get3A_27] : memref<27x8xf32, #tpu.memory_space<vmem>>, vector<27x8xf32>
    %broadcast_in_dim3A_29 = vector.shape_cast %get3A_28 : vector<27x8xf32> to vector<1x27x8xf32>
    %add3A_30 = vector.broadcast %broadcast_in_dim3A : vector<64x1x8xf32> to vector<64x27x8xf32>
    %add3A_31 = vector.broadcast %broadcast_in_dim3A_29 : vector<1x27x8xf32> to vector<64x27x8xf32>
    %add3A_32 = arith.addf %add3A_30, %add3A_31 : vector<64x27x8xf32>
    %reshape3A = vector.shape_cast %add3A_32 : vector<64x27x8xf32> to vector<1728x8xf32>
    %swap3A = arith.constant 0 : index
    %swap3A_33 = arith.constant 0 : index
    %swap3A_34 = arith.constant 0 : index
    %swap3A_35 = vector.load %arg9[%swap3A, %swap3A_33, %swap3A_34] : memref<1x1728x8xf32, #tpu.memory_space<vmem>>, vector<1x1728x8xf32>
    %swap3A_36 = vector.shape_cast %swap3A_35 : vector<1x1728x8xf32> to vector<1728x8xf32>
    %swap3A_37 = vector.shape_cast %reshape3A : vector<1728x8xf32> to vector<1x1728x8xf32>
    tpu.vector_store %arg9[%swap3A, %swap3A_33, %swap3A_34], %swap3A_37 {strides = array<i32>} : memref<1x1728x8xf32, #tpu.memory_space<vmem>>, vector<1x1728x8xf32>,
    %get3A_38 = arith.constant 0 : index
    %get3A_39 = arith.constant 0 : index
    %get3A_40 = vector.load %arg6[%get3A_38, %get3A_39] : memref<8x64xf32, #tpu.memory_space<vmem>>, vector<8x64xf32>
    %dot_general3A_41 = arith.constant dense<0.000000e+00> : vector<64x64xf32>
    %dot_general3A_42 = tpu.matmul %get3A_16, %get3A_40, %dot_general3A_41 {dimension_numbers = #tpu.dot_dimension_numbers<[1], [0], [0], [1], [0, 0, 1, 1], [], []>, transpose_lhs_hint = false} : vector<64x8xf32>, vector<8x64xf32>, vector<64x64xf32> -> vector<64x64xf32>
    %get3A_43 = arith.constant 0 : index
    %get3A_44 = arith.constant 0 : index
    %get3A_45 = vector.load %arg7[%get3A_43, %get3A_44] : memref<1x64xf32, #tpu.memory_space<vmem>>, vector<1x64xf32>
    %sub3A = vector.broadcast %get3A_45 : vector<1x64xf32> to vector<64x64xf32>
    %sub3A_46 = arith.subf %dot_general3A_42, %sub3A : vector<64x64xf32>
    %swap3A_47 = arith.constant 0 : index
    %swap3A_48 = arith.constant 0 : index
    %swap3A_49 = arith.constant 0 : index
    %swap3A_50 = vector.load %arg10[%swap3A_47, %swap3A_48, %swap3A_49] : memref<1x64x64xf32, #tpu.memory_space<vmem>>, vector<1x64x64xf32>
    %swap3A_51 = vector.shape_cast %swap3A_50 : vector<1x64x64xf32> to vector<64x64xf32>
    %swap3A_52 = vector.shape_cast %sub3A_46 : vector<64x64xf32> to vector<1x64x64xf32>
    tpu.vector_store %arg10[%swap3A_47, %swap3A_48, %swap3A_49], %swap3A_52 {strides = array<i32>} : memref<1x64x64xf32, #tpu.memory_space<vmem>>, vector<1x64x64xf32>,
    %get3A_53 = arith.constant 0 : index
    %get3A_54 = arith.constant 0 : index
    %get3A_55 = vector.load %arg6[%get3A_53, %get3A_54] : memref<8x64xf32, #tpu.memory_space<vmem>>, vector<8x64xf32>
    %dot_general3A_56 = arith.constant dense<0.000000e+00> : vector<1728x64xf32>
    %dot_general3A_57 = tpu.matmul %reshape3A, %get3A_55, %dot_general3A_56 {dimension_numbers = #tpu.dot_dimension_numbers<[1], [0], [0], [1], [0, 0, 1, 1], [], []>, transpose_lhs_hint = false} : vector<1728x8xf32>, vector<8x64xf32>, vector<1728x64xf32> -> vector<1728x64xf32>
    %get3A_58 = arith.constant 0 : index
    %get3A_59 = arith.constant 0 : index
    %get3A_60 = vector.load %arg7[%get3A_58, %get3A_59] : memref<1x64xf32, #tpu.memory_space<vmem>>, vector<1x64xf32>
    %sub3A_61 = vector.broadcast %get3A_60 : vector<1x64xf32> to vector<1728x64xf32>
    %sub3A_62 = arith.subf %dot_general3A_57, %sub3A_61 : vector<1728x64xf32>
    %swap3A_63 = arith.constant 0 : index
    %swap3A_64 = arith.constant 0 : index
    %swap3A_65 = arith.constant 0 : index
    %swap3A_66 = vector.load %arg11[%swap3A_63, %swap3A_64, %swap3A_65] : memref<1x1728x64xf32, #tpu.memory_space<vmem>>, vector<1x1728x64xf32>
    %swap3A_67 = vector.shape_cast %swap3A_66 : vector<1x1728x64xf32> to vector<1728x64xf32>
    %swap3A_68 = vector.shape_cast %sub3A_62 : vector<1728x64xf32> to vector<1x1728x64xf32>
    tpu.vector_store %arg11[%swap3A_63, %swap3A_64, %swap3A_65], %swap3A_68 {strides = array<i32>} : memref<1x1728x64xf32, #tpu.memory_space<vmem>>, vector<1x1728x64xf32>,
    return
  }
  func.func @transform_0(%arg0: i32) -> (i32, i32, i32) {
    %c0_i32 = arith.constant 0 : i32
    %c0_i32_0 = arith.constant 0 : i32
    %c0_i32_1 = arith.constant 0 : i32
    return %arg0, %c0_i32, %c0_i32_0 : i32, i32, i32
  }
  func.func @transform_1(%arg0: i32) -> (i32, i32, i32) {
    %c0_i32 = arith.constant 0 : i32
    %c0_i32_0 = arith.constant 0 : i32
    %c0_i32_1 = arith.constant 0 : i32
    return %arg0, %c0_i32, %c0_i32_0 : i32, i32, i32
  }
  func.func @transform_2(%arg0: i32) -> (i32, i32) {
    %c0_i32 = arith.constant 0 : i32
    %c0_i32_0 = arith.constant 0 : i32
    %c0_i32_1 = arith.constant 0 : i32
    return %c0_i32, %c0_i32_0 : i32, i32
  }
  func.func @transform_3(%arg0: i32) -> (i32, i32) {
    %c0_i32 = arith.constant 0 : i32
    %c0_i32_0 = arith.constant 0 : i32
    %c0_i32_1 = arith.constant 0 : i32
    return %c0_i32, %c0_i32_0 : i32, i32
  }
  func.func @transform_4(%arg0: i32) -> (i32, i32) {
    %c0_i32 = arith.constant 0 : i32
    %c0_i32_0 = arith.constant 0 : i32
    %c0_i32_1 = arith.constant 0 : i32
    return %c0_i32, %c0_i32_0 : i32, i32
  }
  func.func @transform_5(%arg0: i32) -> (i32, i32) {
    %c0_i32 = arith.constant 0 : i32
    %c0_i32_0 = arith.constant 0 : i32
    %c0_i32_1 = arith.constant 0 : i32
    return %c0_i32, %c0_i32_0 : i32, i32
  }
  func.func @transform_6(%arg0: i32) -> (i32, i32) {
    %c0_i32 = arith.constant 0 : i32
    %c0_i32_0 = arith.constant 0 : i32
    %c0_i32_1 = arith.constant 0 : i32
    return %c0_i32, %c0_i32_0 : i32, i32
  }
  func.func @transform_7(%arg0: i32) -> (i32, i32, i32) {
    %c0_i32 = arith.constant 0 : i32
    %c0_i32_0 = arith.constant 0 : i32
    %c0_i32_1 = arith.constant 0 : i32
    return %arg0, %c0_i32, %c0_i32_0 : i32, i32, i32
  }
  func.func @transform_8(%arg0: i32) -> (i32, i32, i32) {
    %c0_i32 = arith.constant 0 : i32
    %c0_i32_0 = arith.constant 0 : i32
    %c0_i32_1 = arith.constant 0 : i32
    return %arg0, %c0_i32, %c0_i32_0 : i32, i32, i32
  }
  func.func @transform_9(%arg0: i32) -> (i32, i32, i32) {
    %c0_i32 = arith.constant 0 : i32
    %c0_i32_0 = arith.constant 0 : i32
    %c0_i32_1 = arith.constant 0 : i32
    return %arg0, %c0_i32, %c0_i32_0 : i32, i32, i32
  }
  func.func @transform_10(%arg0: i32) -> (i32, i32, i32) {
    %c0_i32 = arith.constant 0 : i32
    %c0_i32_0 = arith.constant 0 : i32
    %c0_i32_1 = arith.constant 0 : i32
    return %arg0, %c0_i32, %c0_i32_0 : i32, i32, i32
  }
}

module attributes {stable_mosaic.version = 14 : i64} {
  func.func @_knn_body(%arg0: i32, %arg1: i32, %arg2: memref<1x216x8xf32, #tpu.memory_space<vmem>>, %arg3: memref<1x3x8192xf32, #tpu.memory_space<vmem>>, %arg4: memref<1x216x16xi32, #tpu.memory_space<vmem>>) attributes {dimension_semantics = [#tpu.dimension_semantics<arbitrary>, #tpu.dimension_semantics<arbitrary>], iteration_bounds = array<i64: 4, 8>, scalar_prefetch = 0 : i64, scratch_operands = 0 : i64, tpu.core_type = #tpu.core_type<tc>, window_params = [{transform_indices = @transform_0, window_bounds = array<i64: 1, 216, 8>}, {transform_indices = @transform_1, window_bounds = array<i64: 1, 3, 8192>}, {transform_indices = @transform_2, window_bounds = array<i64: 1, 216, 16>}]} {
    %get3A = arith.constant 0 : index
    %get3A_0 = arith.constant 0 : index
    %get3A_1 = arith.constant 0 : index
    %get3A_2 = vector.load %arg2[%get3A, %get3A_0, %get3A_1] : memref<1x216x8xf32, #tpu.memory_space<vmem>>, vector<1x216x8xf32>
    %get3A_3 = vector.shape_cast %get3A_2 : vector<1x216x8xf32> to vector<216x8xf32>
    %get3A_4 = arith.constant 0 : index
    %get3A_5 = arith.constant 0 : index
    %get3A_6 = arith.constant 0 : index
    %get3A_7 = vector.load %arg3[%get3A_4, %get3A_5, %get3A_6] : memref<1x3x8192xf32, #tpu.memory_space<vmem>>, vector<1x3x8192xf32>
    %get3A_8 = vector.shape_cast %get3A_7 : vector<1x3x8192xf32> to vector<3x8192xf32>
    %slice3A = vector.extract_strided_slice %get3A_3 {offsets = [0, 0], sizes = [216, 1], strides = [1, 1]} : vector<216x8xf32> to vector<216x1xf32>
    %slice3A_9 = vector.extract_strided_slice %get3A_3 {offsets = [0, 1], sizes = [216, 1], strides = [1, 1]} : vector<216x8xf32> to vector<216x1xf32>
    %slice3A_10 = vector.extract_strided_slice %get3A_3 {offsets = [0, 2], sizes = [216, 1], strides = [1, 1]} : vector<216x8xf32> to vector<216x1xf32>
    %mul3A = arith.mulf %slice3A, %slice3A : vector<216x1xf32>
    %mul3A_11 = arith.mulf %slice3A_9, %slice3A_9 : vector<216x1xf32>
    %add3A = arith.addf %mul3A, %mul3A_11 : vector<216x1xf32>
    %mul3A_12 = arith.mulf %slice3A_10, %slice3A_10 : vector<216x1xf32>
    %add3A_13 = arith.addf %add3A, %mul3A_12 : vector<216x1xf32>
    %mul3A_14 = arith.mulf %get3A_8, %get3A_8 : vector<3x8192xf32>
    %reduce_sum3A = arith.constant dense<0.000000e+00> : vector<8192xf32>
    %reduce_sum3A_15 = vector.multi_reduction <add>, %mul3A_14, %reduce_sum3A [0] : vector<3x8192xf32> to vector<8192xf32>
    %broadcast_in_dim3A = vector.shape_cast %reduce_sum3A_15 : vector<8192xf32> to vector<1x8192xf32>
    %slice3A_16 = vector.extract_strided_slice %get3A_8 {offsets = [0, 0], sizes = [1, 8192], strides = [1, 1]} : vector<3x8192xf32> to vector<1x8192xf32>
    %mul3A_17 = vector.broadcast %slice3A : vector<216x1xf32> to vector<216x8192xf32>
    %mul3A_18 = vector.broadcast %slice3A_16 : vector<1x8192xf32> to vector<216x8192xf32>
    %mul3A_19 = arith.mulf %mul3A_17, %mul3A_18 : vector<216x8192xf32>
    %slice3A_20 = vector.extract_strided_slice %get3A_8 {offsets = [1, 0], sizes = [1, 8192], strides = [1, 1]} : vector<3x8192xf32> to vector<1x8192xf32>
    %mul3A_21 = vector.broadcast %slice3A_9 : vector<216x1xf32> to vector<216x8192xf32>
    %mul3A_22 = vector.broadcast %slice3A_20 : vector<1x8192xf32> to vector<216x8192xf32>
    %mul3A_23 = arith.mulf %mul3A_21, %mul3A_22 : vector<216x8192xf32>
    %add3A_24 = arith.addf %mul3A_19, %mul3A_23 : vector<216x8192xf32>
    %slice3A_25 = vector.extract_strided_slice %get3A_8 {offsets = [2, 0], sizes = [1, 8192], strides = [1, 1]} : vector<3x8192xf32> to vector<1x8192xf32>
    %mul3A_26 = vector.broadcast %slice3A_10 : vector<216x1xf32> to vector<216x8192xf32>
    %mul3A_27 = vector.broadcast %slice3A_25 : vector<1x8192xf32> to vector<216x8192xf32>
    %mul3A_28 = arith.mulf %mul3A_26, %mul3A_27 : vector<216x8192xf32>
    %add3A_29 = arith.addf %add3A_24, %mul3A_28 : vector<216x8192xf32>
    %add3A_30 = vector.broadcast %add3A_13 : vector<216x1xf32> to vector<216x8192xf32>
    %add3A_31 = vector.broadcast %broadcast_in_dim3A : vector<1x8192xf32> to vector<216x8192xf32>
    %add3A_32 = arith.addf %add3A_30, %add3A_31 : vector<216x8192xf32>
    %mul3A_33 = arith.constant 2.000000e+00 : f32
    %mul3A_34 = vector.broadcast %mul3A_33 : f32 to vector<216x8192xf32>
    %mul3A_35 = arith.mulf %mul3A_34, %add3A_29 : vector<216x8192xf32>
    %sub3A = arith.subf %add3A_32, %mul3A_35 : vector<216x8192xf32>
    %iota3A = tpu.iota {dimensions = array<i32: 1>} : vector<216x8192xi32>
    %iota3A_36 = tpu.iota {dimensions = array<i32: 1>} : vector<216x16xi32>
    %broadcast_in_dim3A_37 = arith.constant 0 : i32
    %broadcast_in_dim3A_38 = vector.broadcast %broadcast_in_dim3A_37 : i32 to vector<216x16xi32>
    %scan3A = arith.constant 1073741824 : i32
    %scan3A_39 = arith.constant 0 : i32
    %scan3A_40 = arith.constant 16 : i32
    %scan3A_41 = arith.addi %scan3A_39, %scan3A_40 : i32
    %scan3A_42 = arith.constant 1 : i32
    %scan3A_43:2 = scf.for %scan3A_50 = %scan3A_39 to %scan3A_41 step %scan3A_42 iter_args(%scan3A_51 = %sub3A, %scan3A_52 = %broadcast_in_dim3A_38) -> (vector<216x8192xf32>, vector<216x16xi32>)  : i32 {
      %reduce_min3A = arith.constant dense<0x7F800000> : vector<216xf32>
      %reduce_min3A_53 = vector.multi_reduction <minimumf>, %scan3A_51, %reduce_min3A [1] : vector<216x8192xf32> to vector<216xf32>
      %broadcast_in_dim3A_54 = vector.shape_cast %reduce_min3A_53 : vector<216xf32> to vector<216x1xf32>
      %eq3A = vector.broadcast %broadcast_in_dim3A_54 : vector<216x1xf32> to vector<216x8192xf32>
      %eq3A_55 = arith.cmpf oeq, %scan3A_51, %eq3A : vector<216x8192xf32>
      %broadcast_in_dim3A_56 = vector.broadcast %scan3A : i32 to vector<216x8192xi32>
      %select_n3A = arith.select %eq3A_55, %iota3A, %broadcast_in_dim3A_56 : vector<216x8192xi1>, vector<216x8192xi32>
      %reduce_min3A_57 = arith.constant dense<2147483647> : vector<216xi32>
      %reduce_min3A_58 = vector.multi_reduction <minsi>, %select_n3A, %reduce_min3A_57 [1] : vector<216x8192xi32> to vector<216xi32>
      %broadcast_in_dim3A_59 = vector.shape_cast %reduce_min3A_58 : vector<216xi32> to vector<216x1xi32>
      %eq3A_60 = vector.broadcast %broadcast_in_dim3A_59 : vector<216x1xi32> to vector<216x8192xi32>
      %eq3A_61 = arith.cmpi eq, %select_n3A, %eq3A_60 : vector<216x8192xi32>
      %jit3A = arith.constant 0x7F800000 : f32
      %broadcast_in_dim3A_62 = vector.broadcast %jit3A : f32 to vector<216x8192xf32>
      %select_n3A_63 = arith.select %eq3A_61, %broadcast_in_dim3A_62, %scan3A_51 : vector<216x8192xi1>, vector<216x8192xf32>
      %eq3A_64 = vector.broadcast %scan3A_50 : i32 to vector<216x16xi32>
      %eq3A_65 = arith.cmpi eq, %iota3A_36, %eq3A_64 : vector<216x16xi32>
      %mul3A_66 = arith.constant 8192 : i32
      %mul3A_67 = arith.muli %arg0, %mul3A_66 : i32
      %add3A_68 = vector.broadcast %mul3A_67 : i32 to vector<216x1xi32>
      %add3A_69 = arith.addi %broadcast_in_dim3A_59, %add3A_68 : vector<216x1xi32>
      %broadcast_in_dim3A_70 = vector.shape_cast %add3A_69 : vector<216x1xi32> to vector<216x1xi32>
      %broadcast_in_dim3A_71 = vector.broadcast %broadcast_in_dim3A_70 : vector<216x1xi32> to vector<216x16xi32>
      %select_n3A_72 = arith.select %eq3A_65, %broadcast_in_dim3A_71, %scan3A_52 : vector<216x16xi1>, vector<216x16xi32>
      scf.yield %select_n3A_63, %select_n3A_72 : vector<216x8192xf32>, vector<216x16xi32>
    }
    %scan3A_44 = arith.constant 16 : i32
    %swap3A = arith.constant 0 : index
    %swap3A_45 = arith.constant 0 : index
    %swap3A_46 = arith.constant 0 : index
    %swap3A_47 = vector.load %arg4[%swap3A, %swap3A_45, %swap3A_46] : memref<1x216x16xi32, #tpu.memory_space<vmem>>, vector<1x216x16xi32>
    %swap3A_48 = vector.shape_cast %swap3A_47 : vector<1x216x16xi32> to vector<216x16xi32>
    %swap3A_49 = vector.shape_cast %scan3A_43#1 : vector<216x16xi32> to vector<1x216x16xi32>
    tpu.vector_store %arg4[%swap3A, %swap3A_45, %swap3A_46], %swap3A_49 {strides = array<i32>} : memref<1x216x16xi32, #tpu.memory_space<vmem>>, vector<1x216x16xi32>,
    return
  }
  func.func @transform_0(%arg0: i32, %arg1: i32) -> (i32, i32, i32) {
    %c0_i32 = arith.constant 0 : i32
    %c0_i32_0 = arith.constant 0 : i32
    return %arg0, %arg1, %c0_i32 : i32, i32, i32
  }
  func.func @transform_1(%arg0: i32, %arg1: i32) -> (i32, i32, i32) {
    %c0_i32 = arith.constant 0 : i32
    %c0_i32_0 = arith.constant 0 : i32
    %c0_i32_1 = arith.constant 0 : i32
    return %arg0, %c0_i32, %c0_i32_0 : i32, i32, i32
  }
  func.func @transform_2(%arg0: i32, %arg1: i32) -> (i32, i32, i32) {
    %c0_i32 = arith.constant 0 : i32
    %c0_i32_0 = arith.constant 0 : i32
    return %arg0, %arg1, %c0_i32 : i32, i32, i32
  }
}

module attributes {stable_mosaic.version = 14 : i64} {
  func.func @_dfe_tgt_body(%arg0: i32, %arg1: i32, %arg2: memref<1x3456x64xf32, #tpu.memory_space<vmem>>, %arg3: memref<1x216x64xf32, #tpu.memory_space<vmem>>, %arg4: memref<64x64xf32, #tpu.memory_space<vmem>>, %arg5: memref<1x64xf32, #tpu.memory_space<vmem>>, %arg6: memref<1x216x64xf32, #tpu.memory_space<vmem>>) attributes {dimension_semantics = [#tpu.dimension_semantics<arbitrary>, #tpu.dimension_semantics<arbitrary>], iteration_bounds = array<i64: 4, 8>, scalar_prefetch = 0 : i64, scratch_operands = 0 : i64, tpu.core_type = #tpu.core_type<tc>, window_params = [{transform_indices = @transform_0, window_bounds = array<i64: 1, 3456, 64>}, {transform_indices = @transform_1, window_bounds = array<i64: 1, 216, 64>}, {pipeline_mode = #tpu.pipeline_mode<synchronous>, transform_indices = @transform_2, window_bounds = array<i64: 64, 64>}, {pipeline_mode = #tpu.pipeline_mode<synchronous>, transform_indices = @transform_3, window_bounds = array<i64: 1, 64>}, {transform_indices = @transform_4, window_bounds = array<i64: 1, 216, 64>}]} {
    %get3A = arith.constant 0 : index
    %get3A_0 = arith.constant 0 : index
    %get3A_1 = arith.constant 0 : index
    %get3A_2 = vector.load %arg2[%get3A, %get3A_0, %get3A_1] : memref<1x3456x64xf32, #tpu.memory_space<vmem>>, vector<1x3456x64xf32>
    %get3A_3 = vector.shape_cast %get3A_2 : vector<1x3456x64xf32> to vector<3456x64xf32>
    %get3A_4 = arith.constant 0 : index
    %get3A_5 = arith.constant 0 : index
    %get3A_6 = arith.constant 0 : index
    %get3A_7 = vector.load %arg3[%get3A_4, %get3A_5, %get3A_6] : memref<1x216x64xf32, #tpu.memory_space<vmem>>, vector<1x216x64xf32>
    %get3A_8 = vector.shape_cast %get3A_7 : vector<1x216x64xf32> to vector<216x64xf32>
    %reshape3A = vector.shape_cast %get3A_3 : vector<3456x64xf32> to vector<216x16x64xf32>
    %broadcast_in_dim3A = vector.shape_cast %get3A_8 : vector<216x64xf32> to vector<216x1x64xf32>
    %sub3A = vector.broadcast %broadcast_in_dim3A : vector<216x1x64xf32> to vector<216x16x64xf32>
    %sub3A_9 = arith.subf %reshape3A, %sub3A : vector<216x16x64xf32>
    %max3A = arith.constant 0.000000e+00 : f32
    %max3A_10 = vector.broadcast %max3A : f32 to vector<216x16x64xf32>
    %max3A_11 = arith.maximumf %sub3A_9, %max3A_10 : vector<216x16x64xf32>
    %reshape3A_12 = vector.shape_cast %max3A_11 : vector<216x16x64xf32> to vector<3456x64xf32>
    %get3A_13 = arith.constant 0 : index
    %get3A_14 = arith.constant 0 : index
    %get3A_15 = vector.load %arg4[%get3A_13, %get3A_14] : memref<64x64xf32, #tpu.memory_space<vmem>>, vector<64x64xf32>
    %dot_general3A = arith.constant dense<0.000000e+00> : vector<3456x64xf32>
    %dot_general3A_16 = tpu.matmul %reshape3A_12, %get3A_15, %dot_general3A {dimension_numbers = #tpu.dot_dimension_numbers<[1], [0], [0], [1], [0, 0, 1, 1], [], []>, transpose_lhs_hint = false} : vector<3456x64xf32>, vector<64x64xf32>, vector<3456x64xf32> -> vector<3456x64xf32>
    %get3A_17 = arith.constant 0 : index
    %get3A_18 = arith.constant 0 : index
    %get3A_19 = vector.load %arg5[%get3A_17, %get3A_18] : memref<1x64xf32, #tpu.memory_space<vmem>>, vector<1x64xf32>
    %add3A = vector.broadcast %get3A_19 : vector<1x64xf32> to vector<3456x64xf32>
    %add3A_20 = arith.addf %dot_general3A_16, %add3A : vector<3456x64xf32>
    %max3A_21 = arith.constant 0.000000e+00 : f32
    %max3A_22 = vector.broadcast %max3A_21 : f32 to vector<3456x64xf32>
    %max3A_23 = arith.maximumf %add3A_20, %max3A_22 : vector<3456x64xf32>
    %reshape3A_24 = vector.shape_cast %max3A_23 : vector<3456x64xf32> to vector<216x16x64xf32>
    %reduce_max3A = arith.constant dense<0xFF800000> : vector<216x64xf32>
    %reduce_max3A_25 = vector.multi_reduction <maximumf>, %reshape3A_24, %reduce_max3A [1] : vector<216x16x64xf32> to vector<216x64xf32>
    %swap3A = arith.constant 0 : index
    %swap3A_26 = arith.constant 0 : index
    %swap3A_27 = arith.constant 0 : index
    %swap3A_28 = vector.load %arg6[%swap3A, %swap3A_26, %swap3A_27] : memref<1x216x64xf32, #tpu.memory_space<vmem>>, vector<1x216x64xf32>
    %swap3A_29 = vector.shape_cast %swap3A_28 : vector<1x216x64xf32> to vector<216x64xf32>
    %swap3A_30 = vector.shape_cast %reduce_max3A_25 : vector<216x64xf32> to vector<1x216x64xf32>
    tpu.vector_store %arg6[%swap3A, %swap3A_26, %swap3A_27], %swap3A_30 {strides = array<i32>} : memref<1x216x64xf32, #tpu.memory_space<vmem>>, vector<1x216x64xf32>,
    return
  }
  func.func @transform_0(%arg0: i32, %arg1: i32) -> (i32, i32, i32) {
    %c0_i32 = arith.constant 0 : i32
    %c0_i32_0 = arith.constant 0 : i32
    return %arg0, %arg1, %c0_i32 : i32, i32, i32
  }
  func.func @transform_1(%arg0: i32, %arg1: i32) -> (i32, i32, i32) {
    %c0_i32 = arith.constant 0 : i32
    %c0_i32_0 = arith.constant 0 : i32
    return %arg0, %arg1, %c0_i32 : i32, i32, i32
  }
  func.func @transform_2(%arg0: i32, %arg1: i32) -> (i32, i32) {
    %c0_i32 = arith.constant 0 : i32
    %c0_i32_0 = arith.constant 0 : i32
    %c0_i32_1 = arith.constant 0 : i32
    return %c0_i32, %c0_i32_0 : i32, i32
  }
  func.func @transform_3(%arg0: i32, %arg1: i32) -> (i32, i32) {
    %c0_i32 = arith.constant 0 : i32
    %c0_i32_0 = arith.constant 0 : i32
    %c0_i32_1 = arith.constant 0 : i32
    return %c0_i32, %c0_i32_0 : i32, i32
  }
  func.func @transform_4(%arg0: i32, %arg1: i32) -> (i32, i32, i32) {
    %c0_i32 = arith.constant 0 : i32
    %c0_i32_0 = arith.constant 0 : i32
    return %arg0, %arg1, %c0_i32 : i32, i32, i32
  }
}

module attributes {stable_mosaic.version = 14 : i64} {
  func.func @_cpg_body(%arg0: i32, %arg1: memref<1x2048x64xf32, #tpu.memory_space<vmem>>, %arg2: memref<1x64x64xf32, #tpu.memory_space<vmem>>, %arg3: memref<1x1728x64xf32, #tpu.memory_space<vmem>>, %arg4: memref<1x1728x8xf32, #tpu.memory_space<vmem>>, %arg5: memref<64x64xf32, #tpu.memory_space<vmem>>, %arg6: memref<1x64xf32, #tpu.memory_space<vmem>>, %arg7: memref<1x64x8xf32, #tpu.memory_space<vmem>>) attributes {dimension_semantics = [#tpu.dimension_semantics<arbitrary>], iteration_bounds = array<i64: 4>, scalar_prefetch = 0 : i64, scratch_operands = 0 : i64, tpu.core_type = #tpu.core_type<tc>, window_params = [{transform_indices = @transform_0, window_bounds = array<i64: 1, 2048, 64>}, {transform_indices = @transform_1, window_bounds = array<i64: 1, 64, 64>}, {transform_indices = @transform_2, window_bounds = array<i64: 1, 1728, 64>}, {transform_indices = @transform_3, window_bounds = array<i64: 1, 1728, 8>}, {pipeline_mode = #tpu.pipeline_mode<synchronous>, transform_indices = @transform_4, window_bounds = array<i64: 64, 64>}, {pipeline_mode = #tpu.pipeline_mode<synchronous>, transform_indices = @transform_5, window_bounds = array<i64: 1, 64>}, {transform_indices = @transform_6, window_bounds = array<i64: 1, 64, 8>}]} {
    %get3A = arith.constant 0 : index
    %get3A_0 = arith.constant 0 : index
    %get3A_1 = arith.constant 0 : index
    %get3A_2 = vector.load %arg1[%get3A, %get3A_0, %get3A_1] : memref<1x2048x64xf32, #tpu.memory_space<vmem>>, vector<1x2048x64xf32>
    %get3A_3 = vector.shape_cast %get3A_2 : vector<1x2048x64xf32> to vector<2048x64xf32>
    %get3A_4 = arith.constant 0 : index
    %get3A_5 = arith.constant 0 : index
    %get3A_6 = arith.constant 0 : index
    %get3A_7 = vector.load %arg2[%get3A_4, %get3A_5, %get3A_6] : memref<1x64x64xf32, #tpu.memory_space<vmem>>, vector<1x64x64xf32>
    %get3A_8 = vector.shape_cast %get3A_7 : vector<1x64x64xf32> to vector<64x64xf32>
    %reshape3A = vector.shape_cast %get3A_3 : vector<2048x64xf32> to vector<64x32x64xf32>
    %broadcast_in_dim3A = vector.shape_cast %get3A_8 : vector<64x64xf32> to vector<64x1x64xf32>
    %sub3A = vector.broadcast %broadcast_in_dim3A : vector<64x1x64xf32> to vector<64x32x64xf32>
    %sub3A_9 = arith.subf %reshape3A, %sub3A : vector<64x32x64xf32>
    %max3A = arith.constant 0.000000e+00 : f32
    %max3A_10 = vector.broadcast %max3A : f32 to vector<64x32x64xf32>
    %max3A_11 = arith.maximumf %sub3A_9, %max3A_10 : vector<64x32x64xf32>
    %reshape3A_12 = vector.shape_cast %max3A_11 : vector<64x32x64xf32> to vector<2048x64xf32>
    %get3A_13 = arith.constant 0 : index
    %get3A_14 = arith.constant 0 : index
    %get3A_15 = vector.load %arg5[%get3A_13, %get3A_14] : memref<64x64xf32, #tpu.memory_space<vmem>>, vector<64x64xf32>
    %dot_general3A = arith.constant dense<0.000000e+00> : vector<2048x64xf32>
    %dot_general3A_16 = tpu.matmul %reshape3A_12, %get3A_15, %dot_general3A {dimension_numbers = #tpu.dot_dimension_numbers<[1], [0], [0], [1], [0, 0, 1, 1], [], []>, transpose_lhs_hint = false} : vector<2048x64xf32>, vector<64x64xf32>, vector<2048x64xf32> -> vector<2048x64xf32>
    %get3A_17 = arith.constant 0 : index
    %get3A_18 = arith.constant 0 : index
    %get3A_19 = vector.load %arg6[%get3A_17, %get3A_18] : memref<1x64xf32, #tpu.memory_space<vmem>>, vector<1x64xf32>
    %add3A = vector.broadcast %get3A_19 : vector<1x64xf32> to vector<2048x64xf32>
    %add3A_20 = arith.addf %dot_general3A_16, %add3A : vector<2048x64xf32>
    %max3A_21 = arith.constant 0.000000e+00 : f32
    %max3A_22 = vector.broadcast %max3A_21 : f32 to vector<2048x64xf32>
    %max3A_23 = arith.maximumf %add3A_20, %max3A_22 : vector<2048x64xf32>
    %reshape3A_24 = vector.shape_cast %max3A_23 : vector<2048x64xf32> to vector<64x32x64xf32>
    %reduce_max3A = arith.constant dense<0xFF800000> : vector<64x64xf32>
    %reduce_max3A_25 = vector.multi_reduction <maximumf>, %reshape3A_24, %reduce_max3A [1] : vector<64x32x64xf32> to vector<64x64xf32>
    %get3A_26 = arith.constant 0 : index
    %get3A_27 = arith.constant 0 : index
    %get3A_28 = arith.constant 0 : index
    %get3A_29 = vector.load %arg3[%get3A_26, %get3A_27, %get3A_28] : memref<1x1728x64xf32, #tpu.memory_space<vmem>>, vector<1x1728x64xf32>
    %get3A_30 = vector.shape_cast %get3A_29 : vector<1x1728x64xf32> to vector<1728x64xf32>
    %reshape3A_31 = vector.shape_cast %get3A_30 : vector<1728x64xf32> to vector<64x27x64xf32>
    %broadcast_in_dim3A_32 = vector.shape_cast %reduce_max3A_25 : vector<64x64xf32> to vector<64x1x64xf32>
    %mul3A = vector.broadcast %broadcast_in_dim3A_32 : vector<64x1x64xf32> to vector<64x27x64xf32>
    %mul3A_33 = arith.mulf %mul3A, %reshape3A_31 : vector<64x27x64xf32>
    %reduce_sum3A = arith.constant dense<0.000000e+00> : vector<64x27xf32>
    %reduce_sum3A_34 = vector.multi_reduction <add>, %mul3A_33, %reduce_sum3A [2] : vector<64x27x64xf32> to vector<64x27xf32>
    %reduce_max3A_35 = arith.constant dense<0xFF800000> : vector<64xf32>
    %reduce_max3A_36 = vector.multi_reduction <maximumf>, %reduce_sum3A_34, %reduce_max3A_35 [1] : vector<64x27xf32> to vector<64xf32>
    %broadcast_in_dim3A_37 = vector.shape_cast %reduce_max3A_36 : vector<64xf32> to vector<64x1xf32>
    %sub3A_38 = vector.broadcast %broadcast_in_dim3A_37 : vector<64x1xf32> to vector<64x27xf32>
    %sub3A_39 = arith.subf %reduce_sum3A_34, %sub3A_38 : vector<64x27xf32>
    %exp3A = math.exp %sub3A_39 : vector<64x27xf32>
    %reduce_sum3A_40 = arith.constant dense<0.000000e+00> : vector<64xf32>
    %reduce_sum3A_41 = vector.multi_reduction <add>, %exp3A, %reduce_sum3A_40 [1] : vector<64x27xf32> to vector<64xf32>
    %broadcast_in_dim3A_42 = vector.shape_cast %reduce_sum3A_41 : vector<64xf32> to vector<64x1xf32>
    %div3A = vector.broadcast %broadcast_in_dim3A_42 : vector<64x1xf32> to vector<64x27xf32>
    %div3A_43 = arith.divf %exp3A, %div3A : vector<64x27xf32>
    %get3A_44 = arith.constant 0 : index
    %get3A_45 = arith.constant 0 : index
    %get3A_46 = arith.constant 0 : index
    %get3A_47 = vector.load %arg4[%get3A_44, %get3A_45, %get3A_46] : memref<1x1728x8xf32, #tpu.memory_space<vmem>>, vector<1x1728x8xf32>
    %get3A_48 = vector.shape_cast %get3A_47 : vector<1x1728x8xf32> to vector<1728x8xf32>
    %reshape3A_49 = vector.shape_cast %get3A_48 : vector<1728x8xf32> to vector<64x27x8xf32>
    %broadcast_in_dim3A_50 = vector.shape_cast %div3A_43 : vector<64x27xf32> to vector<64x27x1xf32>
    %mul3A_51 = vector.broadcast %broadcast_in_dim3A_50 : vector<64x27x1xf32> to vector<64x27x8xf32>
    %mul3A_52 = arith.mulf %mul3A_51, %reshape3A_49 : vector<64x27x8xf32>
    %reduce_sum3A_53 = arith.constant dense<0.000000e+00> : vector<64x8xf32>
    %reduce_sum3A_54 = vector.multi_reduction <add>, %mul3A_52, %reduce_sum3A_53 [1] : vector<64x27x8xf32> to vector<64x8xf32>
    %swap3A = arith.constant 0 : index
    %swap3A_55 = arith.constant 0 : index
    %swap3A_56 = arith.constant 0 : index
    %swap3A_57 = vector.load %arg7[%swap3A, %swap3A_55, %swap3A_56] : memref<1x64x8xf32, #tpu.memory_space<vmem>>, vector<1x64x8xf32>
    %swap3A_58 = vector.shape_cast %swap3A_57 : vector<1x64x8xf32> to vector<64x8xf32>
    %swap3A_59 = vector.shape_cast %reduce_sum3A_54 : vector<64x8xf32> to vector<1x64x8xf32>
    tpu.vector_store %arg7[%swap3A, %swap3A_55, %swap3A_56], %swap3A_59 {strides = array<i32>} : memref<1x64x8xf32, #tpu.memory_space<vmem>>, vector<1x64x8xf32>,
    return
  }
  func.func @transform_0(%arg0: i32) -> (i32, i32, i32) {
    %c0_i32 = arith.constant 0 : i32
    %c0_i32_0 = arith.constant 0 : i32
    %c0_i32_1 = arith.constant 0 : i32
    return %arg0, %c0_i32, %c0_i32_0 : i32, i32, i32
  }
  func.func @transform_1(%arg0: i32) -> (i32, i32, i32) {
    %c0_i32 = arith.constant 0 : i32
    %c0_i32_0 = arith.constant 0 : i32
    %c0_i32_1 = arith.constant 0 : i32
    return %arg0, %c0_i32, %c0_i32_0 : i32, i32, i32
  }
  func.func @transform_2(%arg0: i32) -> (i32, i32, i32) {
    %c0_i32 = arith.constant 0 : i32
    %c0_i32_0 = arith.constant 0 : i32
    %c0_i32_1 = arith.constant 0 : i32
    return %arg0, %c0_i32, %c0_i32_0 : i32, i32, i32
  }
  func.func @transform_3(%arg0: i32) -> (i32, i32, i32) {
    %c0_i32 = arith.constant 0 : i32
    %c0_i32_0 = arith.constant 0 : i32
    %c0_i32_1 = arith.constant 0 : i32
    return %arg0, %c0_i32, %c0_i32_0 : i32, i32, i32
  }
  func.func @transform_4(%arg0: i32) -> (i32, i32) {
    %c0_i32 = arith.constant 0 : i32
    %c0_i32_0 = arith.constant 0 : i32
    %c0_i32_1 = arith.constant 0 : i32
    return %c0_i32, %c0_i32_0 : i32, i32
  }
  func.func @transform_5(%arg0: i32) -> (i32, i32) {
    %c0_i32 = arith.constant 0 : i32
    %c0_i32_0 = arith.constant 0 : i32
    %c0_i32_1 = arith.constant 0 : i32
    return %c0_i32, %c0_i32_0 : i32, i32
  }
  func.func @transform_6(%arg0: i32) -> (i32, i32, i32) {
    %c0_i32 = arith.constant 0 : i32
    %c0_i32_0 = arith.constant 0 : i32
    %c0_i32_1 = arith.constant 0 : i32
    return %arg0, %c0_i32, %c0_i32_0 : i32, i32, i32
  }
}

</mosaic_0001>

<sc_bundles>
// kernel: kernel.9.cloned.1.call-start
scs
__scs_entry_jumppad:
0x0: {  	(pc) =	sbr.rel $0x88, $3  }
0x1: {  	(tag) =	ssettag $0x0;
	lr =	simm.s32 $0x1  }
0x2: {  	[smem:$0x3F94] =	sst lr;
	_ =	strace $0xD0000000  }
0x3: {  	_ = 	snop  }
0x4: {  	_ = 	snop  }
0x5: {  	_ = 	snop  }
0x6: {  	_ = 	snop  }
0x7: {  	_ = 	snop  }
__scs_overlays_trampoline_lowered:
0x8: {  	[smem:$0x3FA3] =	sst s0  }
0x9: {  	[smem:$0x3FA4] =	sst s1  }
0xa: {  	[smem:$0x3FA5] =	sst s2  }
0xb: {  	[smem:$0x3FA6] =	sst s3  }
0xc: {  	[smem:$0x3FA7] =	sst s4  }
0xd: {  	[smem:$0x3FA8] =	sst s5  }
0xe: {  	[smem:$0x3FA9] =	sst s6  }
0xf: {  	[smem:$0x3FAA] =	sst s7  }
0x10: {  	[smem:$0x3FAB] =	sst s8  }
0x11: {  	[smem:$0x3FAC] =	sst s9;
	s0 =	simm.s32 @!p0 $0x0  }
0x12: {  	s1 =	sld [smem:$0x3F92];
	s0 =	simm.s32 @p0 $0x1  }
0x13: {  	[smem:$0x3FAD] =	sst s0;
	s0 =	simm.s32 @!p1 $0x0  }
0x14: {  	s2 =	sld [smem:$0x3F91];
	s0 =	simm.s32 @p1 $0x1  }
0x15: {  	[smem:$0x3FAE] =	sst s0;
	s0 =	simm.s32 @!p2 $0x0  }
0x16: {  	s3 =	sld [smem:$0x3FDB];
	s0 =	simm.s32 @p2 $0x1  }
0x17: {  	s4 =	simm.s32 $0x1BF5;
	[smem:$0x3FB0] =	sst s0  }
0x18: {  	s0 =	sld [smem:$0x3F93];
	_ =	swait.ge [sflag:s4], $0x0  }
0x19: {  	s7 =	sld [smem:$0x3F94]  }
0x1a: {  	s8 =	sadd.s32 $0xFFFFE003, lr  }
0x1b: {  	s9 =	sadd.s32 $0xFFFFFEF7, lr;
	s5 =	simm.s32 $0xFFFFFFFF;
	p2 =	slt.u32 s8, $0xFFFFF086  }
0x1c: {  	p1 =	slt.u32 s9, $0xF7A;
	s5 =	simm.s32 @!p2 $0x0  }
0x1d: {  	s5 =	simm.s32 @p1 $0x1;
	p0 =	seq.s32 s7, s2  }
0x1e: {  	s7 =	smul.u32 @!p0 $0xF7A, s2;
	p2 =	seq.s32 @!p0 s5, $0x0  }
0x1f: {  	s9 =	smul.u32 $0xF7A, s1;
	s8 =	simm.s32 @!p0 $0x1BF5;
	p2 =	por !p2, p0  }
0x20: {  	[sflag:s8] =	ssyncset.s32 @!p0 $0xFFFFF086;
	s6 =	sadd.s32 @!p0 s3, s7;
	s7 =	simm.s32 @!p0 $0x108  }
0x21: {  	s3 =	sadd.s32 s3, s9;
	s6 =	sadd.s32 @!p0 $0x88, s6;
	s7 =	simm.s32 @p2 $0x1082  }
0x22: {  	[simem:s7], [sflag:s8] =	dma.local @!p0 [hbm:s6], $0xF7A  }
0x23: {  	s9 =	sor.u32 $0xD0000000, s2;
	s6 =	simm.s32 $0x108;
	_ =	swait.ge @!p0 [sflag:s8], $0x0  }
0x24: {  	s3 =	sadd.s32 $0x88, s3;
	s6 =	simm.s32 @!p1 $0x1082;
	[sflag:s4] =	ssyncset.s32 $0xFFFFF086  }
0x25: {  	[simem:s6], [sflag:s4] =	dma.local [hbm:s3], $0xF7A  }
0x26: {  	[smem:$0x3F94] =	sst s1;
	(tag) =	ssettag s2;
	_ =	strace s9  }
0x27: {  	s1 =	sld [smem:$0x3FA4]  }
0x28: {  	s2 =	sld [smem:$0x3FA5]  }
0x29: {  	s4 =	sld [smem:$0x3FA7]  }
0x2a: {  	p0 =	seq.s32 s5, $0x0;
	s5 =	sld [smem:$0x3FA8]  }
0x2b: {  	s6 =	sld [smem:$0x3FA9]  }
0x2c: {  	s7 =	sld [smem:$0x3FAA]  }
0x2d: {  	s3 =	simm.s32 $0x108;
	s8 =	sld [smem:$0x3FAB]  }
0x2e: {  	s3 =	simm.s32 @!p0 $0x1082;
	s9 =	sld [smem:$0x3FAC]  }
0x2f: {  	lr =	sadd.s32 s0, s3;
	s0 =	sld [smem:$0x3FA3]  }
0x30: {  	s3 =	sld [smem:$0x3FA6]  }
0x31: {  	[smem:$0x3FAF] =	sst s10  }
0x32: {  	s10 =	sld [smem:$0x3FAD];
	_ =	sdelay $0x3  }
0x33: {  	p0 =	seq.s32 s10, $0x1;
	s10 =	sld [smem:$0x3FAF];
	_ =	sdelay $0x3  }
0x34: {  	[smem:$0x3FAF] =	sst s10  }
0x35: {  	s10 =	sld [smem:$0x3FAE];
	_ =	sdelay $0x3  }
0x36: {  	p1 =	seq.s32 s10, $0x1;
	s10 =	sld [smem:$0x3FAF];
	_ =	sdelay $0x3  }
0x37: {  	[smem:$0x3FAF] =	sst s10  }
0x38: {  	s10 =	sld [smem:$0x3FB0]  }
0x39: {  	_ = 	snop;
	(pc) =	sbr.ind lr, $3  }
0x3a: {  	_ = 	snop  }
0x3b: {  	_ = 	snop  }
0x3c: {  	p2 =	seq.s32 s10, $0x1;
	s10 =	sld [smem:$0x3FAF]  }
0x3d: {  	_ =	shalt  }
0x3e: {  	_ =	shalt  }
0x3f: {  	_ =	shalt  }
0x40: {  	_ =	shalt  }
0x41: {  	_ =	shalt  }
0x42: {  	_ =	shalt  }
0x43: {  	_ =	shalt  }
0x44: {  	_ =	shalt  }
0x45: {  	_ =	shalt  }
0x46: {  	_ =	shalt  }
0x47: {  	_ =	shalt  }
0x48: {  	_ =	shalt  }
0x49: {  	_ =	shalt  }
0x4a: {  	_ =	shalt  }
0x4b: {  	_ =	shalt  }
0x4c: {  	_ =	shalt  }
0x4d: {  	_ =	shalt  }
0x4e: {  	_ =	shalt  }
0x4f: {  	_ =	shalt  }
0x50: {  	_ =	shalt  }
0x51: {  	_ =	shalt  }
0x52: {  	_ =	shalt  }
0x53: {  	_ =	shalt  }
0x54: {  	_ =	shalt  }
0x55: {  	_ =	shalt  }
0x56: {  	_ =	shalt  }
0x57: {  	_ =	shalt  }
0x58: {  	_ =	shalt  }
0x59: {  	_ =	shalt  }
0x5a: {  	_ =	shalt  }
0x5b: {  	_ =	shalt  }
0x5c: {  	_ =	shalt  }
0x5d: {  	_ =	shalt  }
0x5e: {  	_ =	shalt  }
0x5f: {  	_ =	shalt  }
0x60: {  	_ =	shalt  }
0x61: {  	_ =	shalt  }
0x62: {  	_ =	shalt  }
0x63: {  	_ =	shalt  }
0x64: {  	_ =	shalt  }
0x65: {  	_ =	shalt  }
0x66: {  	_ =	shalt  }
0x67: {  	_ =	shalt  }
0x68: {  	_ =	shalt  }
0x69: {  	_ =	shalt  }
0x6a: {  	_ =	shalt  }
0x6b: {  	_ =	shalt  }
0x6c: {  	_ =	shalt  }
0x6d: {  	_ =	shalt  }
0x6e: {  	_ =	shalt  }
0x6f: {  	_ =	shalt  }
0x70: {  	_ =	shalt  }
0x71: {  	_ =	shalt  }
0x72: {  	_ =	shalt  }
0x73: {  	_ =	shalt  }
0x74: {  	_ =	shalt  }
0x75: {  	_ =	shalt  }
0x76: {  	_ =	shalt  }
0x77: {  	_ =	shalt  }
0x78: {  	_ =	shalt  }
0x79: {  	_ =	shalt  }
0x7a: {  	_ =	shalt  }
0x7b: {  	_ =	shalt  }
0x7c: {  	_ =	shalt  }
0x7d: {  	_ =	shalt  }
0x7e: {  	_ =	shalt  }
0x7f: {  	_ =	shalt  }
0x80: {  	_ =	shalt  }
0x81: {  	_ =	shalt  }
0x82: {  	_ =	shalt  }
0x83: {  	_ =	shalt  }
0x84: {  	_ =	shalt  }
0x85: {  	_ =	shalt  }
0x86: {  	_ =	shalt  }
0x87: {  	_ =	shalt  }
.Lfunc_end0:
.L_simem_size_0:
called_computation_lowered:
.L_overlay_start_0:
0x88: {  	s2 =	sld [smem:$0x3FD9]  }
0x89: {  	s3 =	sld [smem:$0x3FFE];
	_ =	sdelay $0x1  }
0x8a: {  	s1 =	srdreg.scid  }
0x8b: {  	s0 =	sand.u32 $0x1, s1  }
0x8c: {  	s16 =	sshll.u32 s0, $0xA;
	s2 =	sadd.s32 s3, s2  }
0x8d: {  	s2 =	sadd.s32 s2, s16  }
0x8e: {  	[smem:$0x3FBB] =	sst s2  }
0x8f: {  	_ = 	snop  }
0x90: {  	(tm) =	ssettm $0x1  }
0x91: {  	s17 =	sld [smem:$0x3FFB];
	_ =	sdelay $0x3  }
0x92: {  	_ =	strace s17  }
0x93: {  	s2 =	sld [smem:$0x3FFC];
	_ =	sdelay $0x3  }
0x94: {  	_ =	strace s2  }
0x95: {  	s2 =	sld [smem:$0x3FFD];
	_ =	sdelay $0x3  }
0x96: {  	_ =	strace s2  }
0x97: {  	_ =	strace $0x8FFFFFFF  }
0x98: {  	s18 =	sld [smem:$0x3FDB];
	_ =	sdelay $0x1  }
0x99: {  	s19 =	simm.s32 $_scs_section_size  }
0x9a: {  	s4 =	simm.s32 $_size__tile_overlayer_lowered;
	s5 =	simm.s32 $_tile_overlayer_lowered  }
0x9b: {  	s22 =	simm.s32 $0x1BFF;
	s21 =	sshll.u32 s5, $0x1;
	s2 =	sadd.s32 s19, s18  }
0x9c: {  	s6 =	simm.s32 $0x0;
	s20 =	sshll.u32 s4, $0x1;
	s4 =	sadd.s32 s21, s2  }
0x9d: {  	[timem:s6], [sflag:s22] =	dma.local [hbm:s4], s20  }
0x9e: {  	_ =	swait.ge [sflag:s22], s20  }
0x9f: {  	s3 =	ssub.s32 $0x0, s20;
	[sflag:s22] =	ssyncset.done $0x0  }
0xa0: {  	[sflag:s22] =	ssyncadd.s32 s3;
	_ =	sdelay $0x1  }
0xa1: {  	s23 =	simm.s32 $0x1B8B  }
0xa2: {  	_ =	swait.ge [sflag:s23], $0x1  }
0xa3: {  	[sflag:s23] =	ssyncset.done $0x0  }
0xa4: {  	s25 =	simm.s32 $0x1B8E;
	s24 =	sld [smem:$0x3FFE];
	[sflag:s23] =	ssyncadd.s32 $0xFFFFFFFF  }
0xa5: {  	s26 =	simm.s32 $execute0_lowered;
	[smem:$0x3FD2] =	sst s25  }
0xa6: {  	s4 =	sshll.u32 s26, $0x1;
	_ =	strace $0x80000046;
	[dreg:$0x1] =	wrdreg $0xFFFFFFFF  }
0xa7: {  	s28 =	simm.s32 $_size_execute0_lowered;
	s2 =	sadd.s32 s2, s4;
	[dreg:$0x0] =	wrdreg $0x0  }
0xa8: {  	s4 =	sshll.u32 s28, $0x1;
	[dreg:$0x2] =	wrdreg s2  }
0xa9: {  	[dreg:$0x3] =	wrdreg s4  }
0xaa: {  	[dreg:$0x4] =	wrdreg $0xC0  }
0xab: {  	_ =	task [dreg:s6], $0x5FFFF  }
0xac: {  	[dreg:$0x1] =	wrdreg $0xFFFFFFFF  }
0xad: {  	[dreg:$0x0] =	wrdreg $0x60  }
0xae: {  	[dreg:$0x2] =	wrdreg s24  }
0xaf: {  	[dreg:$0x3] =	wrdreg $0x9  }
0xb0: {  	_ =	task.clear_ibuf [dreg:s6], $0x4FFFF;
	_ =	strace $0x90000046  }
0xb1: {  	s29 =	simm.s32 $0x9;
	_ =	strace $0x80000048  }
0xb2: {  	_ =	swait.ge [sflag:s29], $0x1  }
0xb3: {  	[sflag:s29] =	ssyncadd.s32 $0xFFFFFFFF  }
0xb4: {  	_ =	strace $0x90000048  }
0xb5: {  	_ =	sfence  }
0xb6: {  	s30 =	sld [smem:$0x0];
	_ =	sdelay $0x2  }
0xb7: {  	s31 =	sshll.u32 s1, $0xD;
	s1 =	sshrl.u32 s1, $0x2  }
0xb8: {  	s3 =	sand.u32 $0x4000, s31;
	s1 =	sadd.s32 s1, s30  }
0xb9: {  	s0 =	sor.u32 s3, s0;
	s1 =	sshll.u32 s1, $0x11  }
0xba: {  	s0 =	sor.u32 s1, s0  }
0xbb: {  	s0 =	sadd.s32 $0x8F2B, s0  }
0xbc: {  	[sflag:s0] =	ssyncadd.remote.s32 $0x1  }
0xbd: {  	_ =	sfence.sel $0xFFFF  }
0xbe: {  	[dreg:$0x0] =	wrdreg $0xFFFFFFFF;
	(pc) =	sbr.abs _section_cstart, $3  }
0xbf: {  	[dreg:$0x1] =	wrdreg $0xFFFFFFFF  }
0xc0: {  	_ =	task.clear_ibuf [dreg:s6], $0x2FFFF;
	_ =	strace $0x9FFFFFFF  }
0xc1: {  	(tm) =	ssettm $0x7FFFFFFF  }
tec
execute0_lowered:
.L_overlay_start_1:
0x0: {  	(tag) =	ssettag $0x1  }
0x1: {  	s1 =	srdreg.scid  }
0x2: {  	s0 =	stileid.u32;
	s5 =	rddreg [dreg:$0x0];
	s2 =	simm.s32 $0x0  }
0x3: {  	s15 =	simm.s32 $0x0;
	s7 =	sand.u32 $0x1, s1;
	s1 =	rddreg [dreg:$0x1]  }
0x4: {  	s3 =	smul.u32 $0x1B00, s0;
	[smem:$0x7FF] =	sst s2;
	s8 =	sadd.s32 $0x2A00, s5  }
0x5: {  	s24 =	smul.u32 $0xD800, s0;
	s10 =	sshll.u32 s0, $0x1;
	s12 =	sadd.s32 $0x46400, s5  }
0x6: {  	s4 =	smul.u32 $0xD80, s7;
	_ =	strace $0x80000047;
	s9 =	ssub.s32 $0x2, s7  }
0x7: {  	s10 =	sor.u32 s7, s10;
	s29 =	smul.u32 $0x6C00, s7;
	s13 =	sshrl.u32 s9, $0x1  }
0x8: {  	s14 =	sadd.s32 s24, s5;
	s26 =	sshll.u32 s10, $0x5;
	s28 =	sshll.u32 s10, $0x8  }
0x9: {  	s10 =	sshll.u32 s10, $0xB;
	s4 =	sadd.s32 s4, s3;
	s3 =	sadd.s32 $0x6400, s5  }
0xa: {  	s25 =	ssub.s32 s9, s13;
	s9 =	sor.u32 $0x80, s28;
	s7 =	sadd.s32 s12, s10  }
0xb: {  	s31 =	sadd.s32 s29, s14;
	s13 =	simm.s32 $0x80;
	s14 =	simm.s32 $0x1  }
0xc: {  	s6 =	sshrl.u32 s4, $0x3;
	s4 =	sadd.s32 $0x86400, s5;
	s30 =	sshrl.u32 s9, $0x3  }
0xd: {  	s9 =	sshll.u32 s9, $0x3;
	s10 =	sadd.s32 $0xC6400, s31;
	s11 =	sadd.s32 s6, s5  }
0xe: {  	s5 =	smax.u32 s25, $0x1;
	s6 =	sadd.s32 s8, s26;
	s8 =	sadd.s32 s8, s30  }
0xf: {  	s9 =	sadd.s32 s12, s9;
	s12 =	simm.s32 $0x2;
	s11 =	sadd.s32 $0x2E00, s11  }
.LBB2_1:
0x10: {  	[tilespmem:s2], [sflag:$0x2] =	stream.linear.gather [hbm4b:s6+s2], $0x80, $0x38;
	[tilespmem:$0x2080] =	vst v63  }
0x11: {  	_ =	swait.ge [sflag:s12], $0x80  }
0x12: {  	[sflag:s12] =	ssyncset.done $0x0  }
0x13: {  	[sflag:s12] =	ssyncadd.s32 $0xFFFFFF80  }
0x14: {  	[tilespmem:s13], [sflag:$0x1] =	stream.indirect.gather [hbm4b:s3+s13], $0x40, s2, s13, $0xb8;
	[tilespmem:$0x2080] =	vst v63  }
0x15: {  	_ =	swait.ge [sflag:s14], $0x2000  }
0x16: {  	[sflag:s14] =	ssyncset.done $0x0  }
0x17: {  	[sflag:s14] =	ssyncadd.s32 $0xFFFFE000  }
0x18: {  	[hbm4b:s7+s2] =	stream.linear.scatter [tilespmem:s13], [sflag:$0x2], $0x2000, $0x38;
	[tilespmem:$0x2080] =	vst v63  }
0x19: {  	_ =	swait.ge [sflag:s12], $0x2000  }
0x1a: {  	[sflag:s12] =	ssyncset.done $0x0  }
0x1b: {  	[sflag:s12] =	ssyncadd.s32 $0xFFFFE000  }
0x1c: {  	[tilespmem:s2], [sflag:$0x2] =	stream.linear.gather [hbm4b:s8+s2], $0x80, $0x38;
	[tilespmem:$0x2080] =	vst v63  }
0x1d: {  	_ =	swait.ge [sflag:s12], $0x80  }
0x1e: {  	[sflag:s12] =	ssyncset.done $0x0  }
0x1f: {  	[sflag:s12] =	ssyncadd.s32 $0xFFFFFF80  }
0x20: {  	[tilespmem:s13], [sflag:$0x1] =	stream.indirect.gather [hbm4b:s3+s13], $0x40, s2, s13, $0xb8;
	[tilespmem:$0x2080] =	vst v63  }
0x21: {  	_ =	swait.ge [sflag:s14], $0x2000  }
0x22: {  	[sflag:s14] =	ssyncset.done $0x0  }
0x23: {  	[sflag:s14] =	ssyncadd.s32 $0xFFFFE000  }
0x24: {  	[hbm4b:s9+s2] =	stream.linear.scatter [tilespmem:s13], [sflag:$0x2], $0x2000, $0x38;
	[tilespmem:$0x2080] =	vst v63  }
0x25: {  	_ =	swait.ge [sflag:s12], $0x2000  }
0x26: {  	[sflag:s12] =	ssyncset.done $0x0  }
0x27: {  	s16 =	sadd.s32 $0x0, s11;
	[sflag:s12] =	ssyncadd.s32 $0xFFFFE000  }
0x28: {  	[tilespmem:s2], [sflag:$0x2] =	stream.linear.gather [hbm4b:s16+s2], $0x80, $0x38;
	[tilespmem:$0x2080] =	vst v63  }
0x29: {  	_ =	swait.ge [sflag:s12], $0x80  }
0x2a: {  	[sflag:s12] =	ssyncset.done $0x0  }
0x2b: {  	[sflag:s12] =	ssyncadd.s32 $0xFFFFFF80  }
0x2c: {  	[tilespmem:s13], [sflag:$0x1] =	stream.indirect.gather [hbm4b:s4+s13], $0x40, s2, s13, $0xb8;
	[tilespmem:$0x2080] =	vst v63  }
0x2d: {  	_ =	swait.ge [sflag:s14], $0x2000  }
0x2e: {  	[sflag:s14] =	ssyncset.done $0x0  }
0x2f: {  	[sflag:s14] =	ssyncadd.s32 $0xFFFFE000  }
0x30: {  	[hbm4b:s10+s2] =	stream.linear.scatter [tilespmem:s13], [sflag:$0x2], $0x2000, $0x38;
	[tilespmem:$0x2080] =	vst v63  }
0x31: {  	s17 =	simm.s32 $0x10;
	_ =	swait.ge [sflag:s12], $0x2000  }
0x32: {  	s18 =	simm.s32 $0x20;
	s16 =	sadd.s32 $0x400, s10;
	[sflag:s12] =	ssyncset.done $0x0  }
.LBB2_2:
0x33: {  	s19 =	sadd.s32 s17, s11  }
0x34: {  	[sflag:s12] =	ssyncadd.s32 $0xFFFFE000;
	s17 =	smov.u32 s18;
	s20 =	sadd.s32 $0x10, s18  }
0x35: {  	[tilespmem:s2], [sflag:$0x2] =	stream.linear.gather [hbm4b:s19+s2], $0x80, $0x38;
	[tilespmem:$0x2080] =	vst v63  }
0x36: {  	p0 =	sne.s32 s18, $0x1A0;
	_ =	swait.ge [sflag:s12], $0x80  }
0x37: {  	[sflag:s12] =	ssyncset.done $0x0  }
0x38: {  	[sflag:s12] =	ssyncadd.s32 $0xFFFFFF80  }
0x39: {  	[tilespmem:s13], [sflag:$0x1] =	stream.indirect.gather [hbm4b:s4+s13], $0x40, s2, s13, $0xb8;
	[tilespmem:$0x2080] =	vst v63  }
0x3a: {  	_ =	swait.ge [sflag:s14], $0x2000  }
.Ltmp0:
0x3b: {  	[sflag:s14] =	ssyncset.done $0x0;
	(pc) =	sbr.rel @p0 .LBB2_2-.Ltmp0, $4  }
0x3c: {  	[sflag:s14] =	ssyncadd.s32 $0xFFFFE000  }
0x3d: {  	[hbm4b:s16+s2] =	stream.linear.scatter [tilespmem:s13], [sflag:$0x2], $0x2000, $0x38;
	[tilespmem:$0x2080] =	vst v63  }
0x3e: {  	_ =	swait.ge [sflag:s12], $0x2000  }
0x3f: {  	s18 =	smov.u32 s20;
	s16 =	sadd.s32 $0x400, s16;
	[sflag:s12] =	ssyncset.done $0x0  }
0x40: {  	s17 =	sadd.s32 s17, s11;
	[sflag:s12] =	ssyncadd.s32 $0xFFFFE000  }
0x41: {  	[tilespmem:s2], [sflag:$0x2] =	stream.linear.gather [hbm4b:s17+s2], $0x80, $0x38;
	[tilespmem:$0x2080] =	vst v63  }
0x42: {  	_ =	swait.ge [sflag:s12], $0x80  }
0x43: {  	[sflag:s12] =	ssyncset.done $0x0  }
0x44: {  	[sflag:s12] =	ssyncadd.s32 $0xFFFFFF80  }
0x45: {  	[tilespmem:s13], [sflag:$0x1] =	stream.indirect.gather [hbm4b:s4+s13], $0x40, s2, s13, $0xb8;
	[tilespmem:$0x2080] =	vst v63  }
0x46: {  	s15 =	sadd.s32 $0x1, s15;
	_ =	swait.ge [sflag:s14], $0x2000  }
0x47: {  	p0 =	sne.s32 s15, s5;
	[sflag:s14] =	ssyncset.done $0x0  }
.Ltmp1:
0x48: {  	[sflag:s14] =	ssyncadd.s32 $0xFFFFE000;
	(pc) =	sbr.rel @p0 .LBB2_1-.Ltmp1, $4  }
0x49: {  	[hbm4b:s16+s2] =	stream.linear.scatter [tilespmem:s13], [sflag:$0x2], $0x2000, $0x38;
	[tilespmem:$0x2080] =	vst v63  }
0x4a: {  	_ =	swait.ge [sflag:s12], $0x2000  }
0x4b: {  	[sflag:s12] =	ssyncset.done $0x0  }
0x4c: {  	[sflag:s12] =	ssyncadd.s32 $0xFFFFE000  }
0x4d: {  	_ =	sfence.sel $0x180000  }
0x4e: {  	[bflag:$0x0] =	sbarrier.arrive $0xFFFF  }
0x4f: {  	p0 =	sne.s32 s0, $0x0;
	_ =	strace $0x90000047  }
0x50: {  	s0 =	sadd.s32 @!p0 $0x100000, s1;
	[bflag:$0x2] =	sbarrier.arrive $0xFFFF  }
0x51: {  	[sflag:s0] =	ssyncadd.tile.s32 @!p0 $0x1;
	_ =	shalt  }
.Lfunc_end2:
_tile_overlayer_lowered:
.L_overlay_start_2:
0x52: {  	(tag) =	ssettag $0x2  }
0x53: {  	s0 =	rddreg [dreg:$0x0];
	s2 =	stileid.u32  }
0x54: {  	s1 =	rddreg [dreg:$0x1];
	p0 =	sne.s32 s2, $0x0  }
0x55: {  	s3 =	rddreg [dreg:$0x2];
	[bflag:$0x3] =	sbarrier.arrive $0xFFFF;
	s2 =	simm.s32 @!p0 $0x1C02  }
0x56: {  	[timem:s3], [sflag:s2] =	dma.local @!p0 [hbm:s0], s1  }
0x57: {  	s0 =	simm.s32 @!p0 $0x2  }
0x58: {  	_ =	swait.ge @!p0 [sflag:s0], s1  }
0x59: {  	s1 =	ssub.s32 @!p0 $0x0, s1;
	[sflag:s0] =	ssyncset.done @!p0 $0x0  }
0x5a: {  	[sflag:s0] =	ssyncadd.s32 @!p0 s1  }
0x5b: {  	[bflag:$0x3] =	sbarrier.arrive $0xFFFF  }
0x5c: {  	_ =	shalt  }

</sc_bundles>
